<compile_context>
chip_gen: v7x
topology: tpu7x:2x2x1
jax: 0.10.2.dev20260603
libtpu: 0.0.44.dev20260713+nightly
codegen_flags: <defaults>
</compile_context>

<pallas_src>
import functools
import math

import jax
import jax.numpy as jnp
from jax import lax
from jax.experimental import pallas as pl
from jax.experimental.pallas import tpu as pltpu
from jax.experimental.pallas import tpu_sc as plsc

_D = 64
_SCALE = 8.0
_LANES = 16


@functools.cache
def _make_sc_gather(S0, S1, V, D, chunk):
    B = S0 * S1
    NC, NS = 2, 16
    NW = NC * NS
    b_per_w = B // NW
    assert b_per_w * NW == B and b_per_w % chunk == 0
    assert chunk % S1 == 0
    rows_per_chunk = chunk // S1
    n_chunks = b_per_w // chunk
    mesh = plsc.VectorSubcoreMesh(core_axis_name="c", subcore_axis_name="s")

    @functools.partial(
        pl.kernel,
        out_type=jax.ShapeDtypeStruct((S0, S1, D), jnp.float32),
        mesh=mesh,
        scratch_types=[
            pltpu.VMEM((chunk,), jnp.int32),
            pltpu.VMEM((chunk,), jnp.int32),
            pltpu.VMEM((chunk, D), jnp.float32),
            pltpu.VMEM((chunk, D), jnp.float32),
            pltpu.SemaphoreType.DMA,
            pltpu.SemaphoreType.DMA,
            pltpu.SemaphoreType.DMA,
            pltpu.SemaphoreType.DMA,
        ],
        compiler_params=pltpu.CompilerParams(use_tc_tiling_on_sc=False),
    )
    def sc_gather(x_hbm, table_hbm, out_hbm, idx0, idx1, rows0, rows1,
                  sg0, sg1, ss0, ss1):
        wid = lax.axis_index("s") * NC + lax.axis_index("c")
        base = wid * b_per_w
        slots = ((idx0, rows0, sg0, ss0), (idx1, rows1, sg1, ss1))

        def start_gather(g, slot):
            idx, rows, sg, _ = slot
            pltpu.sync_copy(x_hbm.at[pl.ds(base + g * chunk, chunk)], idx)
            pltpu.async_copy(table_hbm.at[idx], rows, sg)

        def wait_gather(slot):
            idx, rows, sg, _ = slot
            pltpu.make_async_copy(table_hbm.at[idx], rows, sg).wait()

        def scale(slot):
            rows = slot[1]

            def row_body(r, _):
                for j in range(D // _LANES):
                    sl = pl.ds(j * _LANES, _LANES)
                    rows[r, sl] = rows[r, sl] * _SCALE
                return ()

            lax.fori_loop(0, chunk, row_body, (), unroll=8)

        def start_scatter(g, slot):
            _, rows, _, ss = slot
            xr0 = (base + g * chunk) // S1
            for k in range(rows_per_chunk):
                pltpu.async_copy(
                    rows.at[pl.ds(k * S1, S1)], out_hbm.at[xr0 + k], ss)

        def wait_scatter(g, slot):
            _, rows, _, ss = slot
            xr0 = (base + g * chunk) // S1
            for k in range(rows_per_chunk):
                pltpu.make_async_copy(
                    rows.at[pl.ds(k * S1, S1)], out_hbm.at[xr0 + k], ss).wait()

        start_gather(0, slots[0])

        def pair(p, _):
            for b in range(2):
                g = p * 2 + b
                nslot = slots[1 - b]

                @pl.when(g + 1 < n_chunks)
                def _():
                    @pl.when(g >= 1)
                    def _():
                        wait_scatter(g - 1, nslot)

                    start_gather(g + 1, nslot)

                wait_gather(slots[b])
                scale(slots[b])
                start_scatter(g, slots[b])
            return ()

        lax.fori_loop(0, n_chunks // 2, pair, ())
        wait_scatter(n_chunks - 2, slots[0])
        wait_scatter(n_chunks - 1, slots[1])

    return sc_gather


def kernel(x, table):
    S0, S1 = x.shape
    V, D = table.shape
    flat = x.reshape(S0 * S1).astype(jnp.int32)
    return _make_sc_gather(S0, S1, V, D, 800)(flat, table)

# --- scband reference (transcript-rebuilt; emitter-appended) ---
"""Pipeline reference for scband-input-embeddings-54296976556765 (READ-ONLY COPY).

The authoritative reference and input builder live on the scoring server;
editing this copy changes nothing except your own understanding.
"""

import jax, jax.numpy as jnp
import numpy as np
import math

D_M = 64
VOCAB = 1000000

def setup_inputs(seed: int = 0) -> dict:
    key = jax.random.key(seed)
    k1, k2 = jax.random.split(key)
    x = jax.random.randint(k1, (16384, 200), 0, VOCAB, dtype=jnp.int64 if jax.config.jax_enable_x64 else jnp.int32)
    table = jax.random.normal(k2, (VOCAB, D_M), dtype=jnp.float32)
    return {"x": x, "table": table}

def reference(x, table):
    # nn.Embedding lookup followed by sqrt(d_m) scaling
    emb = jnp.take(table, x, axis=0)
    return emb * math.sqrt(D_M)

if __name__ == "__main__":
    import jax
    _d = setup_inputs()
    print(jax.jit(kernel)(*tuple(_d.values())))

</pallas_src>

<mosaic_0001>
#map = affine_map<(d0, d1) -> (0)>
#map1 = affine_map<(d0, d1) -> (0, 0)>
#map2 = affine_map<(d0, d1) -> (0, 0, 0)>
module attributes {stable_mosaic.version = 14 : i64} {
  func.func @sc_gather(%arg0: i32, %arg1: i32, %arg2: memref<3276800xi32, #tpu.memory_space<hbm>>, %arg3: memref<1000000x64xf32, #tpu.memory_space<hbm>>, %arg4: memref<16384x200x64xf32, #tpu.memory_space<hbm>>, %arg5: memref<800xi32, #tpu.memory_space<vmem>>, %arg6: memref<800xi32, #tpu.memory_space<vmem>>, %arg7: memref<800x64xf32, #tpu.memory_space<vmem>>, %arg8: memref<800x64xf32, #tpu.memory_space<vmem>>, %arg9: memref<!tpu.dma_semaphore, #tpu.memory_space<semaphore_mem>>, %arg10: memref<!tpu.dma_semaphore, #tpu.memory_space<semaphore_mem>>, %arg11: memref<!tpu.dma_semaphore, #tpu.memory_space<semaphore_mem>>, %arg12: memref<!tpu.dma_semaphore, #tpu.memory_space<semaphore_mem>>) attributes {dimension_semantics = [#tpu.dimension_semantics<core_parallel>, #tpu.dimension_semantics<subcore_parallel>], iteration_bounds = array<i64: 2, 16>, scalar_prefetch = 0 : i64, scratch_operands = 8 : i64, tpu.core_type = #tpu.core_type<sc_vector_subcore>, window_params = [{transform_indices = #map}, {transform_indices = #map1}, {transform_indices = #map2}]} {
    %mul3A = arith.constant 2 : i32
    %mul3A_0 = arith.muli %arg1, %mul3A : i32
    %add3A = arith.addi %mul3A_0, %arg0 : i32
    %mul3A_1 = arith.constant 102400 : i32
    %mul3A_2 = arith.muli %add3A, %mul3A_1 : i32
    %add3A_3 = arith.constant 0 : i32
    %add3A_4 = arith.addi %mul3A_2, %add3A_3 : i32
    "tpu.region"() ({
      %run_scoped3A = tpu.sem_alloc : memref<!tpu.dma_semaphore, #tpu.memory_space<semaphore_mem>>
      %dma_start3A_182 = tpu.memref_slice %arg2[%add3A_4] : memref<3276800xi32, #tpu.memory_space<hbm>> -> memref<800xi32, #tpu.memory_space<hbm>>
      %dma_start3A_183 = tpu.memref_slice %arg2[%add3A_4] : memref<3276800xi32, #tpu.memory_space<hbm>> -> memref<800xi32, #tpu.memory_space<hbm>>
      tpu.enqueue_dma source(%dma_start3A_183 : memref<800xi32, #tpu.memory_space<hbm>>) target(%arg5 : memref<800xi32, #tpu.memory_space<vmem>>) target_semaphore(%run_scoped3A : memref<!tpu.dma_semaphore, #tpu.memory_space<semaphore_mem>>)
      %dma_wait3A_184 = tpu.memref_slice %arg2[%add3A_4] : memref<3276800xi32, #tpu.memory_space<hbm>> -> memref<800xi32, #tpu.memory_space<hbm>>
      %dma_wait3A_185 = tpu.memref_slice %arg2[%add3A_4] : memref<3276800xi32, #tpu.memory_space<hbm>> -> memref<800xi32, #tpu.memory_space<hbm>>
      tpu.wait_dma2 semaphore(%run_scoped3A : memref<!tpu.dma_semaphore, #tpu.memory_space<semaphore_mem>>) src(%dma_wait3A_185 : memref<800xi32, #tpu.memory_space<hbm>>) dst(%arg5 : memref<800xi32, #tpu.memory_space<vmem>>)
      tpu.yield
    }) : () -> ()
    %dma_start3A = arith.constant 0 : i32
    %dma_start3A_5 = arith.constant 0 : i32
    %dma_start3A_6 = tpu.memref_slice %arg3[%dma_start3A, %dma_start3A_5] : memref<1000000x64xf32, #tpu.memory_space<hbm>> -> memref<1000000x64xf32, #tpu.memory_space<hbm>>
    tpu.enqueue_indirect_dma source(%dma_start3A_6 : memref<1000000x64xf32, #tpu.memory_space<hbm>>) target(%arg7 : memref<800x64xf32, #tpu.memory_space<vmem>>) offsets(%arg5 : memref<800xi32, #tpu.memory_space<vmem>>) semaphore(%arg9 : memref<!tpu.dma_semaphore, #tpu.memory_space<semaphore_mem>>)
    %scan3A = arith.constant 0 : i32
    %scan3A_7 = arith.constant 64 : i32
    %scan3A_8 = arith.addi %scan3A, %scan3A_7 : i32
    %scan3A_9 = arith.constant 1 : i32
    scf.for %scan3A_182 = %scan3A to %scan3A_8 step %scan3A_9  : i32 {
      %mul3A_183 = arith.constant 2 : i32
      %mul3A_184 = arith.muli %scan3A_182, %mul3A_183 : i32
      %add3A_185 = arith.constant 0 : i32
      %add3A_186 = arith.addi %mul3A_184, %add3A_185 : i32
      %add3A_187 = arith.constant 1 : i32
      %add3A_188 = arith.addi %add3A_186, %add3A_187 : i32
      %lt3A = arith.constant 128 : i32
      %lt3A_189 = arith.cmpi slt, %add3A_188, %lt3A : i32
      %convert_element_type3A = arith.extui %lt3A_189 : i1 to i32
      %cond3A = arith.constant 0 : i32
      %cond3A_190 = arith.cmpi ne, %convert_element_type3A, %cond3A : i32
      scf.if %cond3A_190 {
        %ge3A = arith.constant 1 : i32
        %ge3A_400 = arith.cmpi sge, %add3A_186, %ge3A : i32
        %convert_element_type3A_401 = arith.extui %ge3A_400 : i1 to i32
        %cond3A_402 = arith.constant 0 : i32
        %cond3A_403 = arith.cmpi ne, %convert_element_type3A_401, %cond3A_402 : i32
        scf.if %cond3A_403 {
          %sub3A_412 = arith.constant 1 : i32
          %sub3A_413 = arith.subi %add3A_186, %sub3A_412 : i32
          %mul3A_414 = arith.constant 800 : i32
          %mul3A_415 = arith.muli %sub3A_413, %mul3A_414 : i32
          %add3A_416 = arith.addi %mul3A_2, %mul3A_415 : i32
          %jit3A_417 = arith.constant 200 : i32
          %div3A_418 = arith.divsi %add3A_416, %jit3A_417 : i32
          %sign3A_419 = arith.constant 0 : i32
          %sign3A_420 = arith.cmpi sgt, %add3A_416, %sign3A_419 : i32
          %sign3A_421 = arith.extui %sign3A_420 : i1 to i32
          %sign3A_422 = arith.constant 0 : i32
          %sign3A_423 = arith.cmpi slt, %add3A_416, %sign3A_422 : i32
          %sign3A_424 = arith.extui %sign3A_423 : i1 to i32
          %sign3A_425 = arith.subi %sign3A_421, %sign3A_424 : i32
          %sign3A_426 = arith.constant 0 : i32
          %sign3A_427 = arith.cmpi sgt, %jit3A_417, %sign3A_426 : i32
          %sign3A_428 = arith.extui %sign3A_427 : i1 to i32
          %sign3A_429 = arith.constant 0 : i32
          %sign3A_430 = arith.cmpi slt, %jit3A_417, %sign3A_429 : i32
          %sign3A_431 = arith.extui %sign3A_430 : i1 to i32
          %sign3A_432 = arith.subi %sign3A_428, %sign3A_431 : i32
          %ne3A_433 = arith.cmpi ne, %sign3A_425, %sign3A_432 : i32
          %rem3A_434 = arith.remsi %add3A_416, %jit3A_417 : i32
          %ne3A_435 = arith.constant 0 : i32
          %ne3A_436 = arith.cmpi ne, %rem3A_434, %ne3A_435 : i32
          %and3A_437 = arith.andi %ne3A_433, %ne3A_436 : i1
          %sub3A_438 = arith.constant 1 : i32
          %sub3A_439 = arith.subi %div3A_418, %sub3A_438 : i32
          %select_n3A_440 = arith.select %and3A_437, %sub3A_439, %div3A_418 : i32
          %add3A_441 = arith.constant 0 : i32
          %add3A_442 = arith.addi %select_n3A_440, %add3A_441 : i32
          %dma_wait3A_443 = arith.constant 0 : i32
          %dma_wait3A_444 = arith.constant 0 : i32
          %dma_wait3A_445 = tpu.memref_slice %arg8[%dma_wait3A_443, %dma_wait3A_444] : memref<800x64xf32, #tpu.memory_space<vmem>> -> memref<200x64xf32, #tpu.memory_space<vmem>>
          %dma_wait3A_446 = arith.constant 0 : i32
          %dma_wait3A_447 = arith.constant 0 : i32
          %dma_wait3A_448 = tpu.memref_slice %arg4[%add3A_442, %dma_wait3A_446, %dma_wait3A_447] : memref<16384x200x64xf32, #tpu.memory_space<hbm>> -> memref<1x200x64xf32, #tpu.memory_space<hbm>>
          %dma_wait3A_449 = tpu.memref_squeeze %dma_wait3A_448 : memref<1x200x64xf32, #tpu.memory_space<hbm>> -> memref<200x64xf32, #tpu.memory_space<hbm>>
          %dma_wait3A_450 = arith.constant 0 : i32
          %dma_wait3A_451 = arith.constant 0 : i32
          %dma_wait3A_452 = tpu.memref_slice %arg4[%add3A_442, %dma_wait3A_450, %dma_wait3A_451] : memref<16384x200x64xf32, #tpu.memory_space<hbm>> -> memref<1x200x64xf32, #tpu.memory_space<hbm>>
          %dma_wait3A_453 = tpu.memref_squeeze %dma_wait3A_452 : memref<1x200x64xf32, #tpu.memory_space<hbm>> -> memref<200x64xf32, #tpu.memory_space<hbm>>
          %dma_wait3A_454 = arith.constant 0 : i32
          %dma_wait3A_455 = arith.constant 0 : i32
          %dma_wait3A_456 = tpu.memref_slice %arg8[%dma_wait3A_454, %dma_wait3A_455] : memref<800x64xf32, #tpu.memory_space<vmem>> -> memref<200x64xf32, #tpu.memory_space<vmem>>
          tpu.wait_dma2 semaphore(%arg12 : memref<!tpu.dma_semaphore, #tpu.memory_space<semaphore_mem>>) src(%dma_wait3A_456 : memref<200x64xf32, #tpu.memory_space<vmem>>) dst(%dma_wait3A_453 : memref<200x64xf32, #tpu.memory_space<hbm>>)
          %add3A_457 = arith.constant 1 : i32
          %add3A_458 = arith.addi %select_n3A_440, %add3A_457 : i32
          %dma_wait3A_459 = arith.constant 200 : i32
          %dma_wait3A_460 = arith.constant 0 : i32
          %dma_wait3A_461 = tpu.memref_slice %arg8[%dma_wait3A_459, %dma_wait3A_460] : memref<800x64xf32, #tpu.memory_space<vmem>> -> memref<200x64xf32, #tpu.memory_space<vmem>>
          %dma_wait3A_462 = arith.constant 0 : i32
          %dma_wait3A_463 = arith.constant 0 : i32
          %dma_wait3A_464 = tpu.memref_slice %arg4[%add3A_458, %dma_wait3A_462, %dma_wait3A_463] : memref<16384x200x64xf32, #tpu.memory_space<hbm>> -> memref<1x200x64xf32, #tpu.memory_space<hbm>>
          %dma_wait3A_465 = tpu.memref_squeeze %dma_wait3A_464 : memref<1x200x64xf32, #tpu.memory_space<hbm>> -> memref<200x64xf32, #tpu.memory_space<hbm>>
          %dma_wait3A_466 = arith.constant 0 : i32
          %dma_wait3A_467 = arith.constant 0 : i32
          %dma_wait3A_468 = tpu.memref_slice %arg4[%add3A_458, %dma_wait3A_466, %dma_wait3A_467] : memref<16384x200x64xf32, #tpu.memory_space<hbm>> -> memref<1x200x64xf32, #tpu.memory_space<hbm>>
          %dma_wait3A_469 = tpu.memref_squeeze %dma_wait3A_468 : memref<1x200x64xf32, #tpu.memory_space<hbm>> -> memref<200x64xf32, #tpu.memory_space<hbm>>
          %dma_wait3A_470 = arith.constant 200 : i32
          %dma_wait3A_471 = arith.constant 0 : i32
          %dma_wait3A_472 = tpu.memref_slice %arg8[%dma_wait3A_470, %dma_wait3A_471] : memref<800x64xf32, #tpu.memory_space<vmem>> -> memref<200x64xf32, #tpu.memory_space<vmem>>
          tpu.wait_dma2 semaphore(%arg12 : memref<!tpu.dma_semaphore, #tpu.memory_space<semaphore_mem>>) src(%dma_wait3A_472 : memref<200x64xf32, #tpu.memory_space<vmem>>) dst(%dma_wait3A_469 : memref<200x64xf32, #tpu.memory_space<hbm>>)
          %add3A_473 = arith.constant 2 : i32
          %add3A_474 = arith.addi %select_n3A_440, %add3A_473 : i32
          %dma_wait3A_475 = arith.constant 400 : i32
          %dma_wait3A_476 = arith.constant 0 : i32
          %dma_wait3A_477 = tpu.memref_slice %arg8[%dma_wait3A_475, %dma_wait3A_476] : memref<800x64xf32, #tpu.memory_space<vmem>> -> memref<200x64xf32, #tpu.memory_space<vmem>>
          %dma_wait3A_478 = arith.constant 0 : i32
          %dma_wait3A_479 = arith.constant 0 : i32
          %dma_wait3A_480 = tpu.memref_slice %arg4[%add3A_474, %dma_wait3A_478, %dma_wait3A_479] : memref<16384x200x64xf32, #tpu.memory_space<hbm>> -> memref<1x200x64xf32, #tpu.memory_space<hbm>>
          %dma_wait3A_481 = tpu.memref_squeeze %dma_wait3A_480 : memref<1x200x64xf32, #tpu.memory_space<hbm>> -> memref<200x64xf32, #tpu.memory_space<hbm>>
          %dma_wait3A_482 = arith.constant 0 : i32
          %dma_wait3A_483 = arith.constant 0 : i32
          %dma_wait3A_484 = tpu.memref_slice %arg4[%add3A_474, %dma_wait3A_482, %dma_wait3A_483] : memref<16384x200x64xf32, #tpu.memory_space<hbm>> -> memref<1x200x64xf32, #tpu.memory_space<hbm>>
          %dma_wait3A_485 = tpu.memref_squeeze %dma_wait3A_484 : memref<1x200x64xf32, #tpu.memory_space<hbm>> -> memref<200x64xf32, #tpu.memory_space<hbm>>
          %dma_wait3A_486 = arith.constant 400 : i32
          %dma_wait3A_487 = arith.constant 0 : i32
          %dma_wait3A_488 = tpu.memref_slice %arg8[%dma_wait3A_486, %dma_wait3A_487] : memref<800x64xf32, #tpu.memory_space<vmem>> -> memref<200x64xf32, #tpu.memory_space<vmem>>
          tpu.wait_dma2 semaphore(%arg12 : memref<!tpu.dma_semaphore, #tpu.memory_space<semaphore_mem>>) src(%dma_wait3A_488 : memref<200x64xf32, #tpu.memory_space<vmem>>) dst(%dma_wait3A_485 : memref<200x64xf32, #tpu.memory_space<hbm>>)
          %add3A_489 = arith.constant 3 : i32
          %add3A_490 = arith.addi %select_n3A_440, %add3A_489 : i32
          %dma_wait3A_491 = arith.constant 600 : i32
          %dma_wait3A_492 = arith.constant 0 : i32
          %dma_wait3A_493 = tpu.memref_slice %arg8[%dma_wait3A_491, %dma_wait3A_492] : memref<800x64xf32, #tpu.memory_space<vmem>> -> memref<200x64xf32, #tpu.memory_space<vmem>>
          %dma_wait3A_494 = arith.constant 0 : i32
          %dma_wait3A_495 = arith.constant 0 : i32
          %dma_wait3A_496 = tpu.memref_slice %arg4[%add3A_490, %dma_wait3A_494, %dma_wait3A_495] : memref<16384x200x64xf32, #tpu.memory_space<hbm>> -> memref<1x200x64xf32, #tpu.memory_space<hbm>>
          %dma_wait3A_497 = tpu.memref_squeeze %dma_wait3A_496 : memref<1x200x64xf32, #tpu.memory_space<hbm>> -> memref<200x64xf32, #tpu.memory_space<hbm>>
          %dma_wait3A_498 = arith.constant 0 : i32
          %dma_wait3A_499 = arith.constant 0 : i32
          %dma_wait3A_500 = tpu.memref_slice %arg4[%add3A_490, %dma_wait3A_498, %dma_wait3A_499] : memref<16384x200x64xf32, #tpu.memory_space<hbm>> -> memref<1x200x64xf32, #tpu.memory_space<hbm>>
          %dma_wait3A_501 = tpu.memref_squeeze %dma_wait3A_500 : memref<1x200x64xf32, #tpu.memory_space<hbm>> -> memref<200x64xf32, #tpu.memory_space<hbm>>
          %dma_wait3A_502 = arith.constant 600 : i32
          %dma_wait3A_503 = arith.constant 0 : i32
          %dma_wait3A_504 = tpu.memref_slice %arg8[%dma_wait3A_502, %dma_wait3A_503] : memref<800x64xf32, #tpu.memory_space<vmem>> -> memref<200x64xf32, #tpu.memory_space<vmem>>
          tpu.wait_dma2 semaphore(%arg12 : memref<!tpu.dma_semaphore, #tpu.memory_space<semaphore_mem>>) src(%dma_wait3A_504 : memref<200x64xf32, #tpu.memory_space<vmem>>) dst(%dma_wait3A_501 : memref<200x64xf32, #tpu.memory_space<hbm>>)
        } else {
        }
        %add3A_404 = arith.constant 1 : i32
        %add3A_405 = arith.addi %add3A_186, %add3A_404 : i32
        %mul3A_406 = arith.constant 800 : i32
        %mul3A_407 = arith.muli %add3A_405, %mul3A_406 : i32
        %add3A_408 = arith.addi %mul3A_2, %mul3A_407 : i32
        "tpu.region"() ({
          %run_scoped3A = tpu.sem_alloc : memref<!tpu.dma_semaphore, #tpu.memory_space<semaphore_mem>>
          %dma_start3A_412 = tpu.memref_slice %arg2[%add3A_408] : memref<3276800xi32, #tpu.memory_space<hbm>> -> memref<800xi32, #tpu.memory_space<hbm>>
          %dma_start3A_413 = tpu.memref_slice %arg2[%add3A_408] : memref<3276800xi32, #tpu.memory_space<hbm>> -> memref<800xi32, #tpu.memory_space<hbm>>
          tpu.enqueue_dma source(%dma_start3A_413 : memref<800xi32, #tpu.memory_space<hbm>>) target(%arg6 : memref<800xi32, #tpu.memory_space<vmem>>) target_semaphore(%run_scoped3A : memref<!tpu.dma_semaphore, #tpu.memory_space<semaphore_mem>>)
          %dma_wait3A_414 = tpu.memref_slice %arg2[%add3A_408] : memref<3276800xi32, #tpu.memory_space<hbm>> -> memref<800xi32, #tpu.memory_space<hbm>>
          %dma_wait3A_415 = tpu.memref_slice %arg2[%add3A_408] : memref<3276800xi32, #tpu.memory_space<hbm>> -> memref<800xi32, #tpu.memory_space<hbm>>
          tpu.wait_dma2 semaphore(%run_scoped3A : memref<!tpu.dma_semaphore, #tpu.memory_space<semaphore_mem>>) src(%dma_wait3A_415 : memref<800xi32, #tpu.memory_space<hbm>>) dst(%arg6 : memref<800xi32, #tpu.memory_space<vmem>>)
          tpu.yield
        }) : () -> ()
        %dma_start3A_409 = arith.constant 0 : i32
        %dma_start3A_410 = arith.constant 0 : i32
        %dma_start3A_411 = tpu.memref_slice %arg3[%dma_start3A_409, %dma_start3A_410] : memref<1000000x64xf32, #tpu.memory_space<hbm>> -> memref<1000000x64xf32, #tpu.memory_space<hbm>>
        tpu.enqueue_indirect_dma source(%dma_start3A_411 : memref<1000000x64xf32, #tpu.memory_space<hbm>>) target(%arg8 : memref<800x64xf32, #tpu.memory_space<vmem>>) offsets(%arg6 : memref<800xi32, #tpu.memory_space<vmem>>) semaphore(%arg10 : memref<!tpu.dma_semaphore, #tpu.memory_space<semaphore_mem>>)
      } else {
      }
      %dma_wait3A_191 = arith.constant 0 : i32
      %dma_wait3A_192 = arith.constant 0 : i32
      %dma_wait3A_193 = tpu.memref_slice %arg3[%dma_wait3A_191, %dma_wait3A_192] : memref<1000000x64xf32, #tpu.memory_space<hbm>> -> memref<1000000x64xf32, #tpu.memory_space<hbm>>
      tpu.wait_indirect_dma semaphore(%arg9 : memref<!tpu.dma_semaphore, #tpu.memory_space<semaphore_mem>>) src(%dma_wait3A_193 : memref<1000000x64xf32, #tpu.memory_space<hbm>>) dst(%arg7 : memref<800x64xf32, #tpu.memory_space<vmem>>)
      %scan3A_194 = arith.constant 0 : i32
      %scan3A_195 = arith.constant 800 : i32
      %scan3A_196 = arith.addi %scan3A_194, %scan3A_195 : i32
      %scan3A_197 = arith.constant 8 : i32
      scf.for %scan3A_400 = %scan3A_194 to %scan3A_196 step %scan3A_197  : i32 {
        %get3A = arith.index_cast %scan3A_400 : i32 to index
        %get3A_401 = arith.constant 0 : index
        %get3A_402 = tpu.vector_load %arg7[%get3A, %get3A_401] {strides = array<i32>} : memref<800x64xf32, #tpu.memory_space<vmem>>, vector<1x16xf32>,
        %get3A_403 = vector.shape_cast %get3A_402 : vector<1x16xf32> to vector<16xf32>
        %mul3A_404 = arith.constant 8.000000e+00 : f32
        %mul3A_405 = vector.broadcast %mul3A_404 : f32 to vector<16xf32>
        %mul3A_406 = arith.mulf %get3A_403, %mul3A_405 : vector<16xf32>
        %swap3A = arith.index_cast %scan3A_400 : i32 to index
        %swap3A_407 = arith.constant 0 : index
        %swap3A_408 = tpu.vector_load %arg7[%swap3A, %swap3A_407] {strides = array<i32>} : memref<800x64xf32, #tpu.memory_space<vmem>>, vector<1x16xf32>,
        %swap3A_409 = vector.shape_cast %swap3A_408 : vector<1x16xf32> to vector<16xf32>
        %swap3A_410 = vector.shape_cast %mul3A_406 : vector<16xf32> to vector<1x16xf32>
        tpu.vector_store %arg7[%swap3A, %swap3A_407], %swap3A_410 {strides = array<i32>} : memref<800x64xf32, #tpu.memory_space<vmem>>, vector<1x16xf32>,
        %get3A_411 = arith.index_cast %scan3A_400 : i32 to index
        %get3A_412 = arith.constant 16 : index
        %get3A_413 = tpu.vector_load %arg7[%get3A_411, %get3A_412] {strides = array<i32>} : memref<800x64xf32, #tpu.memory_space<vmem>>, vector<1x16xf32>,
        %get3A_414 = vector.shape_cast %get3A_413 : vector<1x16xf32> to vector<16xf32>
        %mul3A_415 = arith.constant 8.000000e+00 : f32
        %mul3A_416 = vector.broadcast %mul3A_415 : f32 to vector<16xf32>
        %mul3A_417 = arith.mulf %get3A_414, %mul3A_416 : vector<16xf32>
        %swap3A_418 = arith.index_cast %scan3A_400 : i32 to index
        %swap3A_419 = arith.constant 16 : index
        %swap3A_420 = tpu.vector_load %arg7[%swap3A_418, %swap3A_419] {strides = array<i32>} : memref<800x64xf32, #tpu.memory_space<vmem>>, vector<1x16xf32>,
        %swap3A_421 = vector.shape_cast %swap3A_420 : vector<1x16xf32> to vector<16xf32>
        %swap3A_422 = vector.shape_cast %mul3A_417 : vector<16xf32> to vector<1x16xf32>
        tpu.vector_store %arg7[%swap3A_418, %swap3A_419], %swap3A_422 {strides = array<i32>} : memref<800x64xf32, #tpu.memory_space<vmem>>, vector<1x16xf32>,
        %get3A_423 = arith.index_cast %scan3A_400 : i32 to index
        %get3A_424 = arith.constant 32 : index
        %get3A_425 = tpu.vector_load %arg7[%get3A_423, %get3A_424] {strides = array<i32>} : memref<800x64xf32, #tpu.memory_space<vmem>>, vector<1x16xf32>,
        %get3A_426 = vector.shape_cast %get3A_425 : vector<1x16xf32> to vector<16xf32>
        %mul3A_427 = arith.constant 8.000000e+00 : f32
        %mul3A_428 = vector.broadcast %mul3A_427 : f32 to vector<16xf32>
        %mul3A_429 = arith.mulf %get3A_426, %mul3A_428 : vector<16xf32>
        %swap3A_430 = arith.index_cast %scan3A_400 : i32 to index
        %swap3A_431 = arith.constant 32 : index
        %swap3A_432 = tpu.vector_load %arg7[%swap3A_430, %swap3A_431] {strides = array<i32>} : memref<800x64xf32, #tpu.memory_space<vmem>>, vector<1x16xf32>,
        %swap3A_433 = vector.shape_cast %swap3A_432 : vector<1x16xf32> to vector<16xf32>
        %swap3A_434 = vector.shape_cast %mul3A_429 : vector<16xf32> to vector<1x16xf32>
        tpu.vector_store %arg7[%swap3A_430, %swap3A_431], %swap3A_434 {strides = array<i32>} : memref<800x64xf32, #tpu.memory_space<vmem>>, vector<1x16xf32>,
        %get3A_435 = arith.index_cast %scan3A_400 : i32 to index
        %get3A_436 = arith.constant 48 : index
        %get3A_437 = tpu.vector_load %arg7[%get3A_435, %get3A_436] {strides = array<i32>} : memref<800x64xf32, #tpu.memory_space<vmem>>, vector<1x16xf32>,
        %get3A_438 = vector.shape_cast %get3A_437 : vector<1x16xf32> to vector<16xf32>
        %mul3A_439 = arith.constant 8.000000e+00 : f32
        %mul3A_440 = vector.broadcast %mul3A_439 : f32 to vector<16xf32>
        %mul3A_441 = arith.mulf %get3A_438, %mul3A_440 : vector<16xf32>
        %swap3A_442 = arith.index_cast %scan3A_400 : i32 to index
        %swap3A_443 = arith.constant 48 : index
        %swap3A_444 = tpu.vector_load %arg7[%swap3A_442, %swap3A_443] {strides = array<i32>} : memref<800x64xf32, #tpu.memory_space<vmem>>, vector<1x16xf32>,
        %swap3A_445 = vector.shape_cast %swap3A_444 : vector<1x16xf32> to vector<16xf32>
        %swap3A_446 = vector.shape_cast %mul3A_441 : vector<16xf32> to vector<1x16xf32>
        tpu.vector_store %arg7[%swap3A_442, %swap3A_443], %swap3A_446 {strides = array<i32>} : memref<800x64xf32, #tpu.memory_space<vmem>>, vector<1x16xf32>,
        %scan3A_447 = arith.constant 1 : i32
        %scan3A_448 = arith.addi %scan3A_400, %scan3A_447 : i32
        %get3A_449 = arith.index_cast %scan3A_448 : i32 to index
        %get3A_450 = arith.constant 0 : index
        %get3A_451 = tpu.vector_load %arg7[%get3A_449, %get3A_450] {strides = array<i32>} : memref<800x64xf32, #tpu.memory_space<vmem>>, vector<1x16xf32>,
        %get3A_452 = vector.shape_cast %get3A_451 : vector<1x16xf32> to vector<16xf32>
        %mul3A_453 = arith.constant 8.000000e+00 : f32
        %mul3A_454 = vector.broadcast %mul3A_453 : f32 to vector<16xf32>
        %mul3A_455 = arith.mulf %get3A_452, %mul3A_454 : vector<16xf32>
        %swap3A_456 = arith.index_cast %scan3A_448 : i32 to index
        %swap3A_457 = arith.constant 0 : index
        %swap3A_458 = tpu.vector_load %arg7[%swap3A_456, %swap3A_457] {strides = array<i32>} : memref<800x64xf32, #tpu.memory_space<vmem>>, vector<1x16xf32>,
        %swap3A_459 = vector.shape_cast %swap3A_458 : vector<1x16xf32> to vector<16xf32>
        %swap3A_460 = vector.shape_cast %mul3A_455 : vector<16xf32> to vector<1x16xf32>
        tpu.vector_store %arg7[%swap3A_456, %swap3A_457], %swap3A_460 {strides = array<i32>} : memref<800x64xf32, #tpu.memory_space<vmem>>, vector<1x16xf32>,
        %get3A_461 = arith.index_cast %scan3A_448 : i32 to index
        %get3A_462 = arith.constant 16 : index
        %get3A_463 = tpu.vector_load %arg7[%get3A_461, %get3A_462] {strides = array<i32>} : memref<800x64xf32, #tpu.memory_space<vmem>>, vector<1x16xf32>,
        %get3A_464 = vector.shape_cast %get3A_463 : vector<1x16xf32> to vector<16xf32>
        %mul3A_465 = arith.constant 8.000000e+00 : f32
        %mul3A_466 = vector.broadcast %mul3A_465 : f32 to vector<16xf32>
        %mul3A_467 = arith.mulf %get3A_464, %mul3A_466 : vector<16xf32>
        %swap3A_468 = arith.index_cast %scan3A_448 : i32 to index
        %swap3A_469 = arith.constant 16 : index
        %swap3A_470 = tpu.vector_load %arg7[%swap3A_468, %swap3A_469] {strides = array<i32>} : memref<800x64xf32, #tpu.memory_space<vmem>>, vector<1x16xf32>,
        %swap3A_471 = vector.shape_cast %swap3A_470 : vector<1x16xf32> to vector<16xf32>
        %swap3A_472 = vector.shape_cast %mul3A_467 : vector<16xf32> to vector<1x16xf32>
        tpu.vector_store %arg7[%swap3A_468, %swap3A_469], %swap3A_472 {strides = array<i32>} : memref<800x64xf32, #tpu.memory_space<vmem>>, vector<1x16xf32>,
        %get3A_473 = arith.index_cast %scan3A_448 : i32 to index
        %get3A_474 = arith.constant 32 : index
        %get3A_475 = tpu.vector_load %arg7[%get3A_473, %get3A_474] {strides = array<i32>} : memref<800x64xf32, #tpu.memory_space<vmem>>, vector<1x16xf32>,
        %get3A_476 = vector.shape_cast %get3A_475 : vector<1x16xf32> to vector<16xf32>
        %mul3A_477 = arith.constant 8.000000e+00 : f32
        %mul3A_478 = vector.broadcast %mul3A_477 : f32 to vector<16xf32>
        %mul3A_479 = arith.mulf %get3A_476, %mul3A_478 : vector<16xf32>
        %swap3A_480 = arith.index_cast %scan3A_448 : i32 to index
        %swap3A_481 = arith.constant 32 : index
        %swap3A_482 = tpu.vector_load %arg7[%swap3A_480, %swap3A_481] {strides = array<i32>} : memref<800x64xf32, #tpu.memory_space<vmem>>, vector<1x16xf32>,
        %swap3A_483 = vector.shape_cast %swap3A_482 : vector<1x16xf32> to vector<16xf32>
        %swap3A_484 = vector.shape_cast %mul3A_479 : vector<16xf32> to vector<1x16xf32>
        tpu.vector_store %arg7[%swap3A_480, %swap3A_481], %swap3A_484 {strides = array<i32>} : memref<800x64xf32, #tpu.memory_space<vmem>>, vector<1x16xf32>,
        %get3A_485 = arith.index_cast %scan3A_448 : i32 to index
        %get3A_486 = arith.constant 48 : index
        %get3A_487 = tpu.vector_load %arg7[%get3A_485, %get3A_486] {strides = array<i32>} : memref<800x64xf32, #tpu.memory_space<vmem>>, vector<1x16xf32>,
        %get3A_488 = vector.shape_cast %get3A_487 : vector<1x16xf32> to vector<16xf32>
        %mul3A_489 = arith.constant 8.000000e+00 : f32
        %mul3A_490 = vector.broadcast %mul3A_489 : f32 to vector<16xf32>
        %mul3A_491 = arith.mulf %get3A_488, %mul3A_490 : vector<16xf32>
        %swap3A_492 = arith.index_cast %scan3A_448 : i32 to index
        %swap3A_493 = arith.constant 48 : index
        %swap3A_494 = tpu.vector_load %arg7[%swap3A_492, %swap3A_493] {strides = array<i32>} : memref<800x64xf32, #tpu.memory_space<vmem>>, vector<1x16xf32>,
        %swap3A_495 = vector.shape_cast %swap3A_494 : vector<1x16xf32> to vector<16xf32>
        %swap3A_496 = vector.shape_cast %mul3A_491 : vector<16xf32> to vector<1x16xf32>
        tpu.vector_store %arg7[%swap3A_492, %swap3A_493], %swap3A_496 {strides = array<i32>} : memref<800x64xf32, #tpu.memory_space<vmem>>, vector<1x16xf32>,
        %scan3A_497 = arith.constant 2 : i32
        %scan3A_498 = arith.addi %scan3A_400, %scan3A_497 : i32
        %get3A_499 = arith.index_cast %scan3A_498 : i32 to index
        %get3A_500 = arith.constant 0 : index
        %get3A_501 = tpu.vector_load %arg7[%get3A_499, %get3A_500] {strides = array<i32>} : memref<800x64xf32, #tpu.memory_space<vmem>>, vector<1x16xf32>,
        %get3A_502 = vector.shape_cast %get3A_501 : vector<1x16xf32> to vector<16xf32>
        %mul3A_503 = arith.constant 8.000000e+00 : f32
        %mul3A_504 = vector.broadcast %mul3A_503 : f32 to vector<16xf32>
        %mul3A_505 = arith.mulf %get3A_502, %mul3A_504 : vector<16xf32>
        %swap3A_506 = arith.index_cast %scan3A_498 : i32 to index
        %swap3A_507 = arith.constant 0 : index
        %swap3A_508 = tpu.vector_load %arg7[%swap3A_506, %swap3A_507] {strides = array<i32>} : memref<800x64xf32, #tpu.memory_space<vmem>>, vector<1x16xf32>,
        %swap3A_509 = vector.shape_cast %swap3A_508 : vector<1x16xf32> to vector<16xf32>
        %swap3A_510 = vector.shape_cast %mul3A_505 : vector<16xf32> to vector<1x16xf32>
        tpu.vector_store %arg7[%swap3A_506, %swap3A_507], %swap3A_510 {strides = array<i32>} : memref<800x64xf32, #tpu.memory_space<vmem>>, vector<1x16xf32>,
        %get3A_511 = arith.index_cast %scan3A_498 : i32 to index
        %get3A_512 = arith.constant 16 : index
        %get3A_513 = tpu.vector_load %arg7[%get3A_511, %get3A_512] {strides = array<i32>} : memref<800x64xf32, #tpu.memory_space<vmem>>, vector<1x16xf32>,
        %get3A_514 = vector.shape_cast %get3A_513 : vector<1x16xf32> to vector<16xf32>
        %mul3A_515 = arith.constant 8.000000e+00 : f32
        %mul3A_516 = vector.broadcast %mul3A_515 : f32 to vector<16xf32>
        %mul3A_517 = arith.mulf %get3A_514, %mul3A_516 : vector<16xf32>
        %swap3A_518 = arith.index_cast %scan3A_498 : i32 to index
        %swap3A_519 = arith.constant 16 : index
        %swap3A_520 = tpu.vector_load %arg7[%swap3A_518, %swap3A_519] {strides = array<i32>} : memref<800x64xf32, #tpu.memory_space<vmem>>, vector<1x16xf32>,
        %swap3A_521 = vector.shape_cast %swap3A_520 : vector<1x16xf32> to vector<16xf32>
        %swap3A_522 = vector.shape_cast %mul3A_517 : vector<16xf32> to vector<1x16xf32>
        tpu.vector_store %arg7[%swap3A_518, %swap3A_519], %swap3A_522 {strides = array<i32>} : memref<800x64xf32, #tpu.memory_space<vmem>>, vector<1x16xf32>,
        %get3A_523 = arith.index_cast %scan3A_498 : i32 to index
        %get3A_524 = arith.constant 32 : index
        %get3A_525 = tpu.vector_load %arg7[%get3A_523, %get3A_524] {strides = array<i32>} : memref<800x64xf32, #tpu.memory_space<vmem>>, vector<1x16xf32>,
        %get3A_526 = vector.shape_cast %get3A_525 : vector<1x16xf32> to vector<16xf32>
        %mul3A_527 = arith.constant 8.000000e+00 : f32
        %mul3A_528 = vector.broadcast %mul3A_527 : f32 to vector<16xf32>
        %mul3A_529 = arith.mulf %get3A_526, %mul3A_528 : vector<16xf32>
        %swap3A_530 = arith.index_cast %scan3A_498 : i32 to index
        %swap3A_531 = arith.constant 32 : index
        %swap3A_532 = tpu.vector_load %arg7[%swap3A_530, %swap3A_531] {strides = array<i32>} : memref<800x64xf32, #tpu.memory_space<vmem>>, vector<1x16xf32>,
        %swap3A_533 = vector.shape_cast %swap3A_532 : vector<1x16xf32> to vector<16xf32>
        %swap3A_534 = vector.shape_cast %mul3A_529 : vector<16xf32> to vector<1x16xf32>
        tpu.vector_store %arg7[%swap3A_530, %swap3A_531], %swap3A_534 {strides = array<i32>} : memref<800x64xf32, #tpu.memory_space<vmem>>, vector<1x16xf32>,
        %get3A_535 = arith.index_cast %scan3A_498 : i32 to index
        %get3A_536 = arith.constant 48 : index
        %get3A_537 = tpu.vector_load %arg7[%get3A_535, %get3A_536] {strides = array<i32>} : memref<800x64xf32, #tpu.memory_space<vmem>>, vector<1x16xf32>,
        %get3A_538 = vector.shape_cast %get3A_537 : vector<1x16xf32> to vector<16xf32>
        %mul3A_539 = arith.constant 8.000000e+00 : f32
        %mul3A_540 = vector.broadcast %mul3A_539 : f32 to vector<16xf32>
        %mul3A_541 = arith.mulf %get3A_538, %mul3A_540 : vector<16xf32>
        %swap3A_542 = arith.index_cast %scan3A_498 : i32 to index
        %swap3A_543 = arith.constant 48 : index
        %swap3A_544 = tpu.vector_load %arg7[%swap3A_542, %swap3A_543] {strides = array<i32>} : memref<800x64xf32, #tpu.memory_space<vmem>>, vector<1x16xf32>,
        %swap3A_545 = vector.shape_cast %swap3A_544 : vector<1x16xf32> to vector<16xf32>
        %swap3A_546 = vector.shape_cast %mul3A_541 : vector<16xf32> to vector<1x16xf32>
        tpu.vector_store %arg7[%swap3A_542, %swap3A_543], %swap3A_546 {strides = array<i32>} : memref<800x64xf32, #tpu.memory_space<vmem>>, vector<1x16xf32>,
        %scan3A_547 = arith.constant 3 : i32
        %scan3A_548 = arith.addi %scan3A_400, %scan3A_547 : i32
        %get3A_549 = arith.index_cast %scan3A_548 : i32 to index
        %get3A_550 = arith.constant 0 : index
        %get3A_551 = tpu.vector_load %arg7[%get3A_549, %get3A_550] {strides = array<i32>} : memref<800x64xf32, #tpu.memory_space<vmem>>, vector<1x16xf32>,
        %get3A_552 = vector.shape_cast %get3A_551 : vector<1x16xf32> to vector<16xf32>
        %mul3A_553 = arith.constant 8.000000e+00 : f32
        %mul3A_554 = vector.broadcast %mul3A_553 : f32 to vector<16xf32>
        %mul3A_555 = arith.mulf %get3A_552, %mul3A_554 : vector<16xf32>
        %swap3A_556 = arith.index_cast %scan3A_548 : i32 to index
        %swap3A_557 = arith.constant 0 : index
        %swap3A_558 = tpu.vector_load %arg7[%swap3A_556, %swap3A_557] {strides = array<i32>} : memref<800x64xf32, #tpu.memory_space<vmem>>, vector<1x16xf32>,
        %swap3A_559 = vector.shape_cast %swap3A_558 : vector<1x16xf32> to vector<16xf32>
        %swap3A_560 = vector.shape_cast %mul3A_555 : vector<16xf32> to vector<1x16xf32>
        tpu.vector_store %arg7[%swap3A_556, %swap3A_557], %swap3A_560 {strides = array<i32>} : memref<800x64xf32, #tpu.memory_space<vmem>>, vector<1x16xf32>,
        %get3A_561 = arith.index_cast %scan3A_548 : i32 to index
        %get3A_562 = arith.constant 16 : index
        %get3A_563 = tpu.vector_load %arg7[%get3A_561, %get3A_562] {strides = array<i32>} : memref<800x64xf32, #tpu.memory_space<vmem>>, vector<1x16xf32>,
        %get3A_564 = vector.shape_cast %get3A_563 : vector<1x16xf32> to vector<16xf32>
        %mul3A_565 = arith.constant 8.000000e+00 : f32
        %mul3A_566 = vector.broadcast %mul3A_565 : f32 to vector<16xf32>
        %mul3A_567 = arith.mulf %get3A_564, %mul3A_566 : vector<16xf32>
        %swap3A_568 = arith.index_cast %scan3A_548 : i32 to index
        %swap3A_569 = arith.constant 16 : index
        %swap3A_570 = tpu.vector_load %arg7[%swap3A_568, %swap3A_569] {strides = array<i32>} : memref<800x64xf32, #tpu.memory_space<vmem>>, vector<1x16xf32>,
        %swap3A_571 = vector.shape_cast %swap3A_570 : vector<1x16xf32> to vector<16xf32>
        %swap3A_572 = vector.shape_cast %mul3A_567 : vector<16xf32> to vector<1x16xf32>
        tpu.vector_store %arg7[%swap3A_568, %swap3A_569], %swap3A_572 {strides = array<i32>} : memref<800x64xf32, #tpu.memory_space<vmem>>, vector<1x16xf32>,
        %get3A_573 = arith.index_cast %scan3A_548 : i32 to index
        %get3A_574 = arith.constant 32 : index
        %get3A_575 = tpu.vector_load %arg7[%get3A_573, %get3A_574] {strides = array<i32>} : memref<800x64xf32, #tpu.memory_space<vmem>>, vector<1x16xf32>,
        %get3A_576 = vector.shape_cast %get3A_575 : vector<1x16xf32> to vector<16xf32>
        %mul3A_577 = arith.constant 8.000000e+00 : f32
        %mul3A_578 = vector.broadcast %mul3A_577 : f32 to vector<16xf32>
        %mul3A_579 = arith.mulf %get3A_576, %mul3A_578 : vector<16xf32>
        %swap3A_580 = arith.index_cast %scan3A_548 : i32 to index
        %swap3A_581 = arith.constant 32 : index
        %swap3A_582 = tpu.vector_load %arg7[%swap3A_580, %swap3A_581] {strides = array<i32>} : memref<800x64xf32, #tpu.memory_space<vmem>>, vector<1x16xf32>,
        %swap3A_583 = vector.shape_cast %swap3A_582 : vector<1x16xf32> to vector<16xf32>
        %swap3A_584 = vector.shape_cast %mul3A_579 : vector<16xf32> to vector<1x16xf32>
        tpu.vector_store %arg7[%swap3A_580, %swap3A_581], %swap3A_584 {strides = array<i32>} : memref<800x64xf32, #tpu.memory_space<vmem>>, vector<1x16xf32>,
        %get3A_585 = arith.index_cast %scan3A_548 : i32 to index
        %get3A_586 = arith.constant 48 : index
        %get3A_587 = tpu.vector_load %arg7[%get3A_585, %get3A_586] {strides = array<i32>} : memref<800x64xf32, #tpu.memory_space<vmem>>, vector<1x16xf32>,
        %get3A_588 = vector.shape_cast %get3A_587 : vector<1x16xf32> to vector<16xf32>
        %mul3A_589 = arith.constant 8.000000e+00 : f32
        %mul3A_590 = vector.broadcast %mul3A_589 : f32 to vector<16xf32>
        %mul3A_591 = arith.mulf %get3A_588, %mul3A_590 : vector<16xf32>
        %swap3A_592 = arith.index_cast %scan3A_548 : i32 to index
        %swap3A_593 = arith.constant 48 : index
        %swap3A_594 = tpu.vector_load %arg7[%swap3A_592, %swap3A_593] {strides = array<i32>} : memref<800x64xf32, #tpu.memory_space<vmem>>, vector<1x16xf32>,
        %swap3A_595 = vector.shape_cast %swap3A_594 : vector<1x16xf32> to vector<16xf32>
        %swap3A_596 = vector.shape_cast %mul3A_591 : vector<16xf32> to vector<1x16xf32>
        tpu.vector_store %arg7[%swap3A_592, %swap3A_593], %swap3A_596 {strides = array<i32>} : memref<800x64xf32, #tpu.memory_space<vmem>>, vector<1x16xf32>,
        %scan3A_597 = arith.constant 4 : i32
        %scan3A_598 = arith.addi %scan3A_400, %scan3A_597 : i32
        %get3A_599 = arith.index_cast %scan3A_598 : i32 to index
        %get3A_600 = arith.constant 0 : index
        %get3A_601 = tpu.vector_load %arg7[%get3A_599, %get3A_600] {strides = array<i32>} : memref<800x64xf32, #tpu.memory_space<vmem>>, vector<1x16xf32>,
        %get3A_602 = vector.shape_cast %get3A_601 : vector<1x16xf32> to vector<16xf32>
        %mul3A_603 = arith.constant 8.000000e+00 : f32
        %mul3A_604 = vector.broadcast %mul3A_603 : f32 to vector<16xf32>
        %mul3A_605 = arith.mulf %get3A_602, %mul3A_604 : vector<16xf32>
        %swap3A_606 = arith.index_cast %scan3A_598 : i32 to index
        %swap3A_607 = arith.constant 0 : index
        %swap3A_608 = tpu.vector_load %arg7[%swap3A_606, %swap3A_607] {strides = array<i32>} : memref<800x64xf32, #tpu.memory_space<vmem>>, vector<1x16xf32>,
        %swap3A_609 = vector.shape_cast %swap3A_608 : vector<1x16xf32> to vector<16xf32>
        %swap3A_610 = vector.shape_cast %mul3A_605 : vector<16xf32> to vector<1x16xf32>
        tpu.vector_store %arg7[%swap3A_606, %swap3A_607], %swap3A_610 {strides = array<i32>} : memref<800x64xf32, #tpu.memory_space<vmem>>, vector<1x16xf32>,
        %get3A_611 = arith.index_cast %scan3A_598 : i32 to index
        %get3A_612 = arith.constant 16 : index
        %get3A_613 = tpu.vector_load %arg7[%get3A_611, %get3A_612] {strides = array<i32>} : memref<800x64xf32, #tpu.memory_space<vmem>>, vector<1x16xf32>,
        %get3A_614 = vector.shape_cast %get3A_613 : vector<1x16xf32> to vector<16xf32>
        %mul3A_615 = arith.constant 8.000000e+00 : f32
        %mul3A_616 = vector.broadcast %mul3A_615 : f32 to vector<16xf32>
        %mul3A_617 = arith.mulf %get3A_614, %mul3A_616 : vector<16xf32>
        %swap3A_618 = arith.index_cast %scan3A_598 : i32 to index
        %swap3A_619 = arith.constant 16 : index
        %swap3A_620 = tpu.vector_load %arg7[%swap3A_618, %swap3A_619] {strides = array<i32>} : memref<800x64xf32, #tpu.memory_space<vmem>>, vector<1x16xf32>,
        %swap3A_621 = vector.shape_cast %swap3A_620 : vector<1x16xf32> to vector<16xf32>
        %swap3A_622 = vector.shape_cast %mul3A_617 : vector<16xf32> to vector<1x16xf32>
        tpu.vector_store %arg7[%swap3A_618, %swap3A_619], %swap3A_622 {strides = array<i32>} : memref<800x64xf32, #tpu.memory_space<vmem>>, vector<1x16xf32>,
        %get3A_623 = arith.index_cast %scan3A_598 : i32 to index
        %get3A_624 = arith.constant 32 : index
        %get3A_625 = tpu.vector_load %arg7[%get3A_623, %get3A_624] {strides = array<i32>} : memref<800x64xf32, #tpu.memory_space<vmem>>, vector<1x16xf32>,
        %get3A_626 = vector.shape_cast %get3A_625 : vector<1x16xf32> to vector<16xf32>
        %mul3A_627 = arith.constant 8.000000e+00 : f32
        %mul3A_628 = vector.broadcast %mul3A_627 : f32 to vector<16xf32>
        %mul3A_629 = arith.mulf %get3A_626, %mul3A_628 : vector<16xf32>
        %swap3A_630 = arith.index_cast %scan3A_598 : i32 to index
        %swap3A_631 = arith.constant 32 : index
        %swap3A_632 = tpu.vector_load %arg7[%swap3A_630, %swap3A_631] {strides = array<i32>} : memref<800x64xf32, #tpu.memory_space<vmem>>, vector<1x16xf32>,
        %swap3A_633 = vector.shape_cast %swap3A_632 : vector<1x16xf32> to vector<16xf32>
        %swap3A_634 = vector.shape_cast %mul3A_629 : vector<16xf32> to vector<1x16xf32>
        tpu.vector_store %arg7[%swap3A_630, %swap3A_631], %swap3A_634 {strides = array<i32>} : memref<800x64xf32, #tpu.memory_space<vmem>>, vector<1x16xf32>,
        %get3A_635 = arith.index_cast %scan3A_598 : i32 to index
        %get3A_636 = arith.constant 48 : index
        %get3A_637 = tpu.vector_load %arg7[%get3A_635, %get3A_636] {strides = array<i32>} : memref<800x64xf32, #tpu.memory_space<vmem>>, vector<1x16xf32>,
        %get3A_638 = vector.shape_cast %get3A_637 : vector<1x16xf32> to vector<16xf32>
        %mul3A_639 = arith.constant 8.000000e+00 : f32
        %mul3A_640 = vector.broadcast %mul3A_639 : f32 to vector<16xf32>
        %mul3A_641 = arith.mulf %get3A_638, %mul3A_640 : vector<16xf32>
        %swap3A_642 = arith.index_cast %scan3A_598 : i32 to index
        %swap3A_643 = arith.constant 48 : index
        %swap3A_644 = tpu.vector_load %arg7[%swap3A_642, %swap3A_643] {strides = array<i32>} : memref<800x64xf32, #tpu.memory_space<vmem>>, vector<1x16xf32>,
        %swap3A_645 = vector.shape_cast %swap3A_644 : vector<1x16xf32> to vector<16xf32>
        %swap3A_646 = vector.shape_cast %mul3A_641 : vector<16xf32> to vector<1x16xf32>
        tpu.vector_store %arg7[%swap3A_642, %swap3A_643], %swap3A_646 {strides = array<i32>} : memref<800x64xf32, #tpu.memory_space<vmem>>, vector<1x16xf32>,
        %scan3A_647 = arith.constant 5 : i32
        %scan3A_648 = arith.addi %scan3A_400, %scan3A_647 : i32
        %get3A_649 = arith.index_cast %scan3A_648 : i32 to index
        %get3A_650 = arith.constant 0 : index
        %get3A_651 = tpu.vector_load %arg7[%get3A_649, %get3A_650] {strides = array<i32>} : memref<800x64xf32, #tpu.memory_space<vmem>>, vector<1x16xf32>,
        %get3A_652 = vector.shape_cast %get3A_651 : vector<1x16xf32> to vector<16xf32>
        %mul3A_653 = arith.constant 8.000000e+00 : f32
        %mul3A_654 = vector.broadcast %mul3A_653 : f32 to vector<16xf32>
        %mul3A_655 = arith.mulf %get3A_652, %mul3A_654 : vector<16xf32>
        %swap3A_656 = arith.index_cast %scan3A_648 : i32 to index
        %swap3A_657 = arith.constant 0 : index
        %swap3A_658 = tpu.vector_load %arg7[%swap3A_656, %swap3A_657] {strides = array<i32>} : memref<800x64xf32, #tpu.memory_space<vmem>>, vector<1x16xf32>,
        %swap3A_659 = vector.shape_cast %swap3A_658 : vector<1x16xf32> to vector<16xf32>
        %swap3A_660 = vector.shape_cast %mul3A_655 : vector<16xf32> to vector<1x16xf32>
        tpu.vector_store %arg7[%swap3A_656, %swap3A_657], %swap3A_660 {strides = array<i32>} : memref<800x64xf32, #tpu.memory_space<vmem>>, vector<1x16xf32>,
        %get3A_661 = arith.index_cast %scan3A_648 : i32 to index
        %get3A_662 = arith.constant 16 : index
        %get3A_663 = tpu.vector_load %arg7[%get3A_661, %get3A_662] {strides = array<i32>} : memref<800x64xf32, #tpu.memory_space<vmem>>, vector<1x16xf32>,
        %get3A_664 = vector.shape_cast %get3A_663 : vector<1x16xf32> to vector<16xf32>
        %mul3A_665 = arith.constant 8.000000e+00 : f32
        %mul3A_666 = vector.broadcast %mul3A_665 : f32 to vector<16xf32>
        %mul3A_667 = arith.mulf %get3A_664, %mul3A_666 : vector<16xf32>
        %swap3A_668 = arith.index_cast %scan3A_648 : i32 to index
        %swap3A_669 = arith.constant 16 : index
        %swap3A_670 = tpu.vector_load %arg7[%swap3A_668, %swap3A_669] {strides = array<i32>} : memref<800x64xf32, #tpu.memory_space<vmem>>, vector<1x16xf32>,
        %swap3A_671 = vector.shape_cast %swap3A_670 : vector<1x16xf32> to vector<16xf32>
        %swap3A_672 = vector.shape_cast %mul3A_667 : vector<16xf32> to vector<1x16xf32>
        tpu.vector_store %arg7[%swap3A_668, %swap3A_669], %swap3A_672 {strides = array<i32>} : memref<800x64xf32, #tpu.memory_space<vmem>>, vector<1x16xf32>,
        %get3A_673 = arith.index_cast %scan3A_648 : i32 to index
        %get3A_674 = arith.constant 32 : index
        %get3A_675 = tpu.vector_load %arg7[%get3A_673, %get3A_674] {strides = array<i32>} : memref<800x64xf32, #tpu.memory_space<vmem>>, vector<1x16xf32>,
        %get3A_676 = vector.shape_cast %get3A_675 : vector<1x16xf32> to vector<16xf32>
        %mul3A_677 = arith.constant 8.000000e+00 : f32
        %mul3A_678 = vector.broadcast %mul3A_677 : f32 to vector<16xf32>
        %mul3A_679 = arith.mulf %get3A_676, %mul3A_678 : vector<16xf32>
        %swap3A_680 = arith.index_cast %scan3A_648 : i32 to index
        %swap3A_681 = arith.constant 32 : index
        %swap3A_682 = tpu.vector_load %arg7[%swap3A_680, %swap3A_681] {strides = array<i32>} : memref<800x64xf32, #tpu.memory_space<vmem>>, vector<1x16xf32>,
        %swap3A_683 = vector.shape_cast %swap3A_682 : vector<1x16xf32> to vector<16xf32>
        %swap3A_684 = vector.shape_cast %mul3A_679 : vector<16xf32> to vector<1x16xf32>
        tpu.vector_store %arg7[%swap3A_680, %swap3A_681], %swap3A_684 {strides = array<i32>} : memref<800x64xf32, #tpu.memory_space<vmem>>, vector<1x16xf32>,
        %get3A_685 = arith.index_cast %scan3A_648 : i32 to index
        %get3A_686 = arith.constant 48 : index
        %get3A_687 = tpu.vector_load %arg7[%get3A_685, %get3A_686] {strides = array<i32>} : memref<800x64xf32, #tpu.memory_space<vmem>>, vector<1x16xf32>,
        %get3A_688 = vector.shape_cast %get3A_687 : vector<1x16xf32> to vector<16xf32>
        %mul3A_689 = arith.constant 8.000000e+00 : f32
        %mul3A_690 = vector.broadcast %mul3A_689 : f32 to vector<16xf32>
        %mul3A_691 = arith.mulf %get3A_688, %mul3A_690 : vector<16xf32>
        %swap3A_692 = arith.index_cast %scan3A_648 : i32 to index
        %swap3A_693 = arith.constant 48 : index
        %swap3A_694 = tpu.vector_load %arg7[%swap3A_692, %swap3A_693] {strides = array<i32>} : memref<800x64xf32, #tpu.memory_space<vmem>>, vector<1x16xf32>,
        %swap3A_695 = vector.shape_cast %swap3A_694 : vector<1x16xf32> to vector<16xf32>
        %swap3A_696 = vector.shape_cast %mul3A_691 : vector<16xf32> to vector<1x16xf32>
        tpu.vector_store %arg7[%swap3A_692, %swap3A_693], %swap3A_696 {strides = array<i32>} : memref<800x64xf32, #tpu.memory_space<vmem>>, vector<1x16xf32>,
        %scan3A_697 = arith.constant 6 : i32
        %scan3A_698 = arith.addi %scan3A_400, %scan3A_697 : i32
        %get3A_699 = arith.index_cast %scan3A_698 : i32 to index
        %get3A_700 = arith.constant 0 : index
        %get3A_701 = tpu.vector_load %arg7[%get3A_699, %get3A_700] {strides = array<i32>} : memref<800x64xf32, #tpu.memory_space<vmem>>, vector<1x16xf32>,
        %get3A_702 = vector.shape_cast %get3A_701 : vector<1x16xf32> to vector<16xf32>
        %mul3A_703 = arith.constant 8.000000e+00 : f32
        %mul3A_704 = vector.broadcast %mul3A_703 : f32 to vector<16xf32>
        %mul3A_705 = arith.mulf %get3A_702, %mul3A_704 : vector<16xf32>
        %swap3A_706 = arith.index_cast %scan3A_698 : i32 to index
        %swap3A_707 = arith.constant 0 : index
        %swap3A_708 = tpu.vector_load %arg7[%swap3A_706, %swap3A_707] {strides = array<i32>} : memref<800x64xf32, #tpu.memory_space<vmem>>, vector<1x16xf32>,
        %swap3A_709 = vector.shape_cast %swap3A_708 : vector<1x16xf32> to vector<16xf32>
        %swap3A_710 = vector.shape_cast %mul3A_705 : vector<16xf32> to vector<1x16xf32>
        tpu.vector_store %arg7[%swap3A_706, %swap3A_707], %swap3A_710 {strides = array<i32>} : memref<800x64xf32, #tpu.memory_space<vmem>>, vector<1x16xf32>,
        %get3A_711 = arith.index_cast %scan3A_698 : i32 to index
        %get3A_712 = arith.constant 16 : index
        %get3A_713 = tpu.vector_load %arg7[%get3A_711, %get3A_712] {strides = array<i32>} : memref<800x64xf32, #tpu.memory_space<vmem>>, vector<1x16xf32>,
        %get3A_714 = vector.shape_cast %get3A_713 : vector<1x16xf32> to vector<16xf32>
        %mul3A_715 = arith.constant 8.000000e+00 : f32
        %mul3A_716 = vector.broadcast %mul3A_715 : f32 to vector<16xf32>
        %mul3A_717 = arith.mulf %get3A_714, %mul3A_716 : vector<16xf32>
        %swap3A_718 = arith.index_cast %scan3A_698 : i32 to index
        %swap3A_719 = arith.constant 16 : index
        %swap3A_720 = tpu.vector_load %arg7[%swap3A_718, %swap3A_719] {strides = array<i32>} : memref<800x64xf32, #tpu.memory_space<vmem>>, vector<1x16xf32>,
        %swap3A_721 = vector.shape_cast %swap3A_720 : vector<1x16xf32> to vector<16xf32>
        %swap3A_722 = vector.shape_cast %mul3A_717 : vector<16xf32> to vector<1x16xf32>
        tpu.vector_store %arg7[%swap3A_718, %swap3A_719], %swap3A_722 {strides = array<i32>} : memref<800x64xf32, #tpu.memory_space<vmem>>, vector<1x16xf32>,
        %get3A_723 = arith.index_cast %scan3A_698 : i32 to index
        %get3A_724 = arith.constant 32 : index
        %get3A_725 = tpu.vector_load %arg7[%get3A_723, %get3A_724] {strides = array<i32>} : memref<800x64xf32, #tpu.memory_space<vmem>>, vector<1x16xf32>,
        %get3A_726 = vector.shape_cast %get3A_725 : vector<1x16xf32> to vector<16xf32>
        %mul3A_727 = arith.constant 8.000000e+00 : f32
        %mul3A_728 = vector.broadcast %mul3A_727 : f32 to vector<16xf32>
        %mul3A_729 = arith.mulf %get3A_726, %mul3A_728 : vector<16xf32>
        %swap3A_730 = arith.index_cast %scan3A_698 : i32 to index
        %swap3A_731 = arith.constant 32 : index
        %swap3A_732 = tpu.vector_load %arg7[%swap3A_730, %swap3A_731] {strides = array<i32>} : memref<800x64xf32, #tpu.memory_space<vmem>>, vector<1x16xf32>,
        %swap3A_733 = vector.shape_cast %swap3A_732 : vector<1x16xf32> to vector<16xf32>
        %swap3A_734 = vector.shape_cast %mul3A_729 : vector<16xf32> to vector<1x16xf32>
        tpu.vector_store %arg7[%swap3A_730, %swap3A_731], %swap3A_734 {strides = array<i32>} : memref<800x64xf32, #tpu.memory_space<vmem>>, vector<1x16xf32>,
        %get3A_735 = arith.index_cast %scan3A_698 : i32 to index
        %get3A_736 = arith.constant 48 : index
        %get3A_737 = tpu.vector_load %arg7[%get3A_735, %get3A_736] {strides = array<i32>} : memref<800x64xf32, #tpu.memory_space<vmem>>, vector<1x16xf32>,
        %get3A_738 = vector.shape_cast %get3A_737 : vector<1x16xf32> to vector<16xf32>
        %mul3A_739 = arith.constant 8.000000e+00 : f32
        %mul3A_740 = vector.broadcast %mul3A_739 : f32 to vector<16xf32>
        %mul3A_741 = arith.mulf %get3A_738, %mul3A_740 : vector<16xf32>
        %swap3A_742 = arith.index_cast %scan3A_698 : i32 to index
        %swap3A_743 = arith.constant 48 : index
        %swap3A_744 = tpu.vector_load %arg7[%swap3A_742, %swap3A_743] {strides = array<i32>} : memref<800x64xf32, #tpu.memory_space<vmem>>, vector<1x16xf32>,
        %swap3A_745 = vector.shape_cast %swap3A_744 : vector<1x16xf32> to vector<16xf32>
        %swap3A_746 = vector.shape_cast %mul3A_741 : vector<16xf32> to vector<1x16xf32>
        tpu.vector_store %arg7[%swap3A_742, %swap3A_743], %swap3A_746 {strides = array<i32>} : memref<800x64xf32, #tpu.memory_space<vmem>>, vector<1x16xf32>,
        %scan3A_747 = arith.constant 7 : i32
        %scan3A_748 = arith.addi %scan3A_400, %scan3A_747 : i32
        %get3A_749 = arith.index_cast %scan3A_748 : i32 to index
        %get3A_750 = arith.constant 0 : index
        %get3A_751 = tpu.vector_load %arg7[%get3A_749, %get3A_750] {strides = array<i32>} : memref<800x64xf32, #tpu.memory_space<vmem>>, vector<1x16xf32>,
        %get3A_752 = vector.shape_cast %get3A_751 : vector<1x16xf32> to vector<16xf32>
        %mul3A_753 = arith.constant 8.000000e+00 : f32
        %mul3A_754 = vector.broadcast %mul3A_753 : f32 to vector<16xf32>
        %mul3A_755 = arith.mulf %get3A_752, %mul3A_754 : vector<16xf32>
        %swap3A_756 = arith.index_cast %scan3A_748 : i32 to index
        %swap3A_757 = arith.constant 0 : index
        %swap3A_758 = tpu.vector_load %arg7[%swap3A_756, %swap3A_757] {strides = array<i32>} : memref<800x64xf32, #tpu.memory_space<vmem>>, vector<1x16xf32>,
        %swap3A_759 = vector.shape_cast %swap3A_758 : vector<1x16xf32> to vector<16xf32>
        %swap3A_760 = vector.shape_cast %mul3A_755 : vector<16xf32> to vector<1x16xf32>
        tpu.vector_store %arg7[%swap3A_756, %swap3A_757], %swap3A_760 {strides = array<i32>} : memref<800x64xf32, #tpu.memory_space<vmem>>, vector<1x16xf32>,
        %get3A_761 = arith.index_cast %scan3A_748 : i32 to index
        %get3A_762 = arith.constant 16 : index
        %get3A_763 = tpu.vector_load %arg7[%get3A_761, %get3A_762] {strides = array<i32>} : memref<800x64xf32, #tpu.memory_space<vmem>>, vector<1x16xf32>,
        %get3A_764 = vector.shape_cast %get3A_763 : vector<1x16xf32> to vector<16xf32>
        %mul3A_765 = arith.constant 8.000000e+00 : f32
        %mul3A_766 = vector.broadcast %mul3A_765 : f32 to vector<16xf32>
        %mul3A_767 = arith.mulf %get3A_764, %mul3A_766 : vector<16xf32>
        %swap3A_768 = arith.index_cast %scan3A_748 : i32 to index
        %swap3A_769 = arith.constant 16 : index
        %swap3A_770 = tpu.vector_load %arg7[%swap3A_768, %swap3A_769] {strides = array<i32>} : memref<800x64xf32, #tpu.memory_space<vmem>>, vector<1x16xf32>,
        %swap3A_771 = vector.shape_cast %swap3A_770 : vector<1x16xf32> to vector<16xf32>
        %swap3A_772 = vector.shape_cast %mul3A_767 : vector<16xf32> to vector<1x16xf32>
        tpu.vector_store %arg7[%swap3A_768, %swap3A_769], %swap3A_772 {strides = array<i32>} : memref<800x64xf32, #tpu.memory_space<vmem>>, vector<1x16xf32>,
        %get3A_773 = arith.index_cast %scan3A_748 : i32 to index
        %get3A_774 = arith.constant 32 : index
        %get3A_775 = tpu.vector_load %arg7[%get3A_773, %get3A_774] {strides = array<i32>} : memref<800x64xf32, #tpu.memory_space<vmem>>, vector<1x16xf32>,
        %get3A_776 = vector.shape_cast %get3A_775 : vector<1x16xf32> to vector<16xf32>
        %mul3A_777 = arith.constant 8.000000e+00 : f32
        %mul3A_778 = vector.broadcast %mul3A_777 : f32 to vector<16xf32>
        %mul3A_779 = arith.mulf %get3A_776, %mul3A_778 : vector<16xf32>
        %swap3A_780 = arith.index_cast %scan3A_748 : i32 to index
        %swap3A_781 = arith.constant 32 : index
        %swap3A_782 = tpu.vector_load %arg7[%swap3A_780, %swap3A_781] {strides = array<i32>} : memref<800x64xf32, #tpu.memory_space<vmem>>, vector<1x16xf32>,
        %swap3A_783 = vector.shape_cast %swap3A_782 : vector<1x16xf32> to vector<16xf32>
        %swap3A_784 = vector.shape_cast %mul3A_779 : vector<16xf32> to vector<1x16xf32>
        tpu.vector_store %arg7[%swap3A_780, %swap3A_781], %swap3A_784 {strides = array<i32>} : memref<800x64xf32, #tpu.memory_space<vmem>>, vector<1x16xf32>,
        %get3A_785 = arith.index_cast %scan3A_748 : i32 to index
        %get3A_786 = arith.constant 48 : index
        %get3A_787 = tpu.vector_load %arg7[%get3A_785, %get3A_786] {strides = array<i32>} : memref<800x64xf32, #tpu.memory_space<vmem>>, vector<1x16xf32>,
        %get3A_788 = vector.shape_cast %get3A_787 : vector<1x16xf32> to vector<16xf32>
        %mul3A_789 = arith.constant 8.000000e+00 : f32
        %mul3A_790 = vector.broadcast %mul3A_789 : f32 to vector<16xf32>
        %mul3A_791 = arith.mulf %get3A_788, %mul3A_790 : vector<16xf32>
        %swap3A_792 = arith.index_cast %scan3A_748 : i32 to index
        %swap3A_793 = arith.constant 48 : index
        %swap3A_794 = tpu.vector_load %arg7[%swap3A_792, %swap3A_793] {strides = array<i32>} : memref<800x64xf32, #tpu.memory_space<vmem>>, vector<1x16xf32>,
        %swap3A_795 = vector.shape_cast %swap3A_794 : vector<1x16xf32> to vector<16xf32>
        %swap3A_796 = vector.shape_cast %mul3A_791 : vector<16xf32> to vector<1x16xf32>
        tpu.vector_store %arg7[%swap3A_792, %swap3A_793], %swap3A_796 {strides = array<i32>} : memref<800x64xf32, #tpu.memory_space<vmem>>, vector<1x16xf32>,
      }
      %scan3A_198 = arith.constant 800 : i32
      %mul3A_199 = arith.constant 800 : i32
      %mul3A_200 = arith.muli %add3A_186, %mul3A_199 : i32
      %add3A_201 = arith.addi %mul3A_2, %mul3A_200 : i32
      %jit3A_202 = arith.constant 200 : i32
      %div3A_203 = arith.divsi %add3A_201, %jit3A_202 : i32
      %sign3A_204 = arith.constant 0 : i32
      %sign3A_205 = arith.cmpi sgt, %add3A_201, %sign3A_204 : i32
      %sign3A_206 = arith.extui %sign3A_205 : i1 to i32
      %sign3A_207 = arith.constant 0 : i32
      %sign3A_208 = arith.cmpi slt, %add3A_201, %sign3A_207 : i32
      %sign3A_209 = arith.extui %sign3A_208 : i1 to i32
      %sign3A_210 = arith.subi %sign3A_206, %sign3A_209 : i32
      %sign3A_211 = arith.constant 0 : i32
      %sign3A_212 = arith.cmpi sgt, %jit3A_202, %sign3A_211 : i32
      %sign3A_213 = arith.extui %sign3A_212 : i1 to i32
      %sign3A_214 = arith.constant 0 : i32
      %sign3A_215 = arith.cmpi slt, %jit3A_202, %sign3A_214 : i32
      %sign3A_216 = arith.extui %sign3A_215 : i1 to i32
      %sign3A_217 = arith.subi %sign3A_213, %sign3A_216 : i32
      %ne3A_218 = arith.cmpi ne, %sign3A_210, %sign3A_217 : i32
      %rem3A_219 = arith.remsi %add3A_201, %jit3A_202 : i32
      %ne3A_220 = arith.constant 0 : i32
      %ne3A_221 = arith.cmpi ne, %rem3A_219, %ne3A_220 : i32
      %and3A_222 = arith.andi %ne3A_218, %ne3A_221 : i1
      %sub3A_223 = arith.constant 1 : i32
      %sub3A_224 = arith.subi %div3A_203, %sub3A_223 : i32
      %select_n3A_225 = arith.select %and3A_222, %sub3A_224, %div3A_203 : i32
      %add3A_226 = arith.constant 0 : i32
      %add3A_227 = arith.addi %select_n3A_225, %add3A_226 : i32
      %dma_start3A_228 = arith.constant 0 : i32
      %dma_start3A_229 = arith.constant 0 : i32
      %dma_start3A_230 = tpu.memref_slice %arg7[%dma_start3A_228, %dma_start3A_229] : memref<800x64xf32, #tpu.memory_space<vmem>> -> memref<200x64xf32, #tpu.memory_space<vmem>>
      %dma_start3A_231 = arith.constant 0 : i32
      %dma_start3A_232 = arith.constant 0 : i32
      %dma_start3A_233 = tpu.memref_slice %arg4[%add3A_227, %dma_start3A_231, %dma_start3A_232] : memref<16384x200x64xf32, #tpu.memory_space<hbm>> -> memref<1x200x64xf32, #tpu.memory_space<hbm>>
      %dma_start3A_234 = tpu.memref_squeeze %dma_start3A_233 : memref<1x200x64xf32, #tpu.memory_space<hbm>> -> memref<200x64xf32, #tpu.memory_space<hbm>>
      %dma_start3A_235 = arith.constant 0 : i32
      %dma_start3A_236 = arith.constant 0 : i32
      %dma_start3A_237 = tpu.memref_slice %arg4[%add3A_227, %dma_start3A_235, %dma_start3A_236] : memref<16384x200x64xf32, #tpu.memory_space<hbm>> -> memref<1x200x64xf32, #tpu.memory_space<hbm>>
      %dma_start3A_238 = tpu.memref_squeeze %dma_start3A_237 : memref<1x200x64xf32, #tpu.memory_space<hbm>> -> memref<200x64xf32, #tpu.memory_space<hbm>>
      %dma_start3A_239 = arith.constant 0 : i32
      %dma_start3A_240 = arith.constant 0 : i32
      %dma_start3A_241 = tpu.memref_slice %arg7[%dma_start3A_239, %dma_start3A_240] : memref<800x64xf32, #tpu.memory_space<vmem>> -> memref<200x64xf32, #tpu.memory_space<vmem>>
      tpu.enqueue_dma source(%dma_start3A_241 : memref<200x64xf32, #tpu.memory_space<vmem>>) target(%dma_start3A_238 : memref<200x64xf32, #tpu.memory_space<hbm>>) target_semaphore(%arg11 : memref<!tpu.dma_semaphore, #tpu.memory_space<semaphore_mem>>)
      %add3A_242 = arith.constant 1 : i32
      %add3A_243 = arith.addi %select_n3A_225, %add3A_242 : i32
      %dma_start3A_244 = arith.constant 200 : i32
      %dma_start3A_245 = arith.constant 0 : i32
      %dma_start3A_246 = tpu.memref_slice %arg7[%dma_start3A_244, %dma_start3A_245] : memref<800x64xf32, #tpu.memory_space<vmem>> -> memref<200x64xf32, #tpu.memory_space<vmem>>
      %dma_start3A_247 = arith.constant 0 : i32
      %dma_start3A_248 = arith.constant 0 : i32
      %dma_start3A_249 = tpu.memref_slice %arg4[%add3A_243, %dma_start3A_247, %dma_start3A_248] : memref<16384x200x64xf32, #tpu.memory_space<hbm>> -> memref<1x200x64xf32, #tpu.memory_space<hbm>>
      %dma_start3A_250 = tpu.memref_squeeze %dma_start3A_249 : memref<1x200x64xf32, #tpu.memory_space<hbm>> -> memref<200x64xf32, #tpu.memory_space<hbm>>
      %dma_start3A_251 = arith.constant 0 : i32
      %dma_start3A_252 = arith.constant 0 : i32
      %dma_start3A_253 = tpu.memref_slice %arg4[%add3A_243, %dma_start3A_251, %dma_start3A_252] : memref<16384x200x64xf32, #tpu.memory_space<hbm>> -> memref<1x200x64xf32, #tpu.memory_space<hbm>>
      %dma_start3A_254 = tpu.memref_squeeze %dma_start3A_253 : memref<1x200x64xf32, #tpu.memory_space<hbm>> -> memref<200x64xf32, #tpu.memory_space<hbm>>
      %dma_start3A_255 = arith.constant 200 : i32
      %dma_start3A_256 = arith.constant 0 : i32
      %dma_start3A_257 = tpu.memref_slice %arg7[%dma_start3A_255, %dma_start3A_256] : memref<800x64xf32, #tpu.memory_space<vmem>> -> memref<200x64xf32, #tpu.memory_space<vmem>>
      tpu.enqueue_dma source(%dma_start3A_257 : memref<200x64xf32, #tpu.memory_space<vmem>>) target(%dma_start3A_254 : memref<200x64xf32, #tpu.memory_space<hbm>>) target_semaphore(%arg11 : memref<!tpu.dma_semaphore, #tpu.memory_space<semaphore_mem>>)
      %add3A_258 = arith.constant 2 : i32
      %add3A_259 = arith.addi %select_n3A_225, %add3A_258 : i32
      %dma_start3A_260 = arith.constant 400 : i32
      %dma_start3A_261 = arith.constant 0 : i32
      %dma_start3A_262 = tpu.memref_slice %arg7[%dma_start3A_260, %dma_start3A_261] : memref<800x64xf32, #tpu.memory_space<vmem>> -> memref<200x64xf32, #tpu.memory_space<vmem>>
      %dma_start3A_263 = arith.constant 0 : i32
      %dma_start3A_264 = arith.constant 0 : i32
      %dma_start3A_265 = tpu.memref_slice %arg4[%add3A_259, %dma_start3A_263, %dma_start3A_264] : memref<16384x200x64xf32, #tpu.memory_space<hbm>> -> memref<1x200x64xf32, #tpu.memory_space<hbm>>
      %dma_start3A_266 = tpu.memref_squeeze %dma_start3A_265 : memref<1x200x64xf32, #tpu.memory_space<hbm>> -> memref<200x64xf32, #tpu.memory_space<hbm>>
      %dma_start3A_267 = arith.constant 0 : i32
      %dma_start3A_268 = arith.constant 0 : i32
      %dma_start3A_269 = tpu.memref_slice %arg4[%add3A_259, %dma_start3A_267, %dma_start3A_268] : memref<16384x200x64xf32, #tpu.memory_space<hbm>> -> memref<1x200x64xf32, #tpu.memory_space<hbm>>
      %dma_start3A_270 = tpu.memref_squeeze %dma_start3A_269 : memref<1x200x64xf32, #tpu.memory_space<hbm>> -> memref<200x64xf32, #tpu.memory_space<hbm>>
      %dma_start3A_271 = arith.constant 400 : i32
      %dma_start3A_272 = arith.constant 0 : i32
      %dma_start3A_273 = tpu.memref_slice %arg7[%dma_start3A_271, %dma_start3A_272] : memref<800x64xf32, #tpu.memory_space<vmem>> -> memref<200x64xf32, #tpu.memory_space<vmem>>
      tpu.enqueue_dma source(%dma_start3A_273 : memref<200x64xf32, #tpu.memory_space<vmem>>) target(%dma_start3A_270 : memref<200x64xf32, #tpu.memory_space<hbm>>) target_semaphore(%arg11 : memref<!tpu.dma_semaphore, #tpu.memory_space<semaphore_mem>>)
      %add3A_274 = arith.constant 3 : i32
      %add3A_275 = arith.addi %select_n3A_225, %add3A_274 : i32
      %dma_start3A_276 = arith.constant 600 : i32
      %dma_start3A_277 = arith.constant 0 : i32
      %dma_start3A_278 = tpu.memref_slice %arg7[%dma_start3A_276, %dma_start3A_277] : memref<800x64xf32, #tpu.memory_space<vmem>> -> memref<200x64xf32, #tpu.memory_space<vmem>>
      %dma_start3A_279 = arith.constant 0 : i32
      %dma_start3A_280 = arith.constant 0 : i32
      %dma_start3A_281 = tpu.memref_slice %arg4[%add3A_275, %dma_start3A_279, %dma_start3A_280] : memref<16384x200x64xf32, #tpu.memory_space<hbm>> -> memref<1x200x64xf32, #tpu.memory_space<hbm>>
      %dma_start3A_282 = tpu.memref_squeeze %dma_start3A_281 : memref<1x200x64xf32, #tpu.memory_space<hbm>> -> memref<200x64xf32, #tpu.memory_space<hbm>>
      %dma_start3A_283 = arith.constant 0 : i32
      %dma_start3A_284 = arith.constant 0 : i32
      %dma_start3A_285 = tpu.memref_slice %arg4[%add3A_275, %dma_start3A_283, %dma_start3A_284] : memref<16384x200x64xf32, #tpu.memory_space<hbm>> -> memref<1x200x64xf32, #tpu.memory_space<hbm>>
      %dma_start3A_286 = tpu.memref_squeeze %dma_start3A_285 : memref<1x200x64xf32, #tpu.memory_space<hbm>> -> memref<200x64xf32, #tpu.memory_space<hbm>>
      %dma_start3A_287 = arith.constant 600 : i32
      %dma_start3A_288 = arith.constant 0 : i32
      %dma_start3A_289 = tpu.memref_slice %arg7[%dma_start3A_287, %dma_start3A_288] : memref<800x64xf32, #tpu.memory_space<vmem>> -> memref<200x64xf32, #tpu.memory_space<vmem>>
      tpu.enqueue_dma source(%dma_start3A_289 : memref<200x64xf32, #tpu.memory_space<vmem>>) target(%dma_start3A_286 : memref<200x64xf32, #tpu.memory_space<hbm>>) target_semaphore(%arg11 : memref<!tpu.dma_semaphore, #tpu.memory_space<semaphore_mem>>)
      %mul3A_290 = arith.constant 2 : i32
      %mul3A_291 = arith.muli %scan3A_182, %mul3A_290 : i32
      %add3A_292 = arith.constant 1 : i32
      %add3A_293 = arith.addi %mul3A_291, %add3A_292 : i32
      %add3A_294 = arith.constant 1 : i32
      %add3A_295 = arith.addi %add3A_293, %add3A_294 : i32
      %lt3A_296 = arith.constant 128 : i32
      %lt3A_297 = arith.cmpi slt, %add3A_295, %lt3A_296 : i32
      %convert_element_type3A_298 = arith.extui %lt3A_297 : i1 to i32
      %cond3A_299 = arith.constant 0 : i32
      %cond3A_300 = arith.cmpi ne, %convert_element_type3A_298, %cond3A_299 : i32
      scf.if %cond3A_300 {
        %ge3A = arith.constant 1 : i32
        %ge3A_400 = arith.cmpi sge, %add3A_293, %ge3A : i32
        %convert_element_type3A_401 = arith.extui %ge3A_400 : i1 to i32
        %cond3A_402 = arith.constant 0 : i32
        %cond3A_403 = arith.cmpi ne, %convert_element_type3A_401, %cond3A_402 : i32
        scf.if %cond3A_403 {
          %sub3A_412 = arith.constant 1 : i32
          %sub3A_413 = arith.subi %add3A_293, %sub3A_412 : i32
          %mul3A_414 = arith.constant 800 : i32
          %mul3A_415 = arith.muli %sub3A_413, %mul3A_414 : i32
          %add3A_416 = arith.addi %mul3A_2, %mul3A_415 : i32
          %jit3A_417 = arith.constant 200 : i32
          %div3A_418 = arith.divsi %add3A_416, %jit3A_417 : i32
          %sign3A_419 = arith.constant 0 : i32
          %sign3A_420 = arith.cmpi sgt, %add3A_416, %sign3A_419 : i32
          %sign3A_421 = arith.extui %sign3A_420 : i1 to i32
          %sign3A_422 = arith.constant 0 : i32
          %sign3A_423 = arith.cmpi slt, %add3A_416, %sign3A_422 : i32
          %sign3A_424 = arith.extui %sign3A_423 : i1 to i32
          %sign3A_425 = arith.subi %sign3A_421, %sign3A_424 : i32
          %sign3A_426 = arith.constant 0 : i32
          %sign3A_427 = arith.cmpi sgt, %jit3A_417, %sign3A_426 : i32
          %sign3A_428 = arith.extui %sign3A_427 : i1 to i32
          %sign3A_429 = arith.constant 0 : i32
          %sign3A_430 = arith.cmpi slt, %jit3A_417, %sign3A_429 : i32
          %sign3A_431 = arith.extui %sign3A_430 : i1 to i32
          %sign3A_432 = arith.subi %sign3A_428, %sign3A_431 : i32
          %ne3A_433 = arith.cmpi ne, %sign3A_425, %sign3A_432 : i32
          %rem3A_434 = arith.remsi %add3A_416, %jit3A_417 : i32
          %ne3A_435 = arith.constant 0 : i32
          %ne3A_436 = arith.cmpi ne, %rem3A_434, %ne3A_435 : i32
          %and3A_437 = arith.andi %ne3A_433, %ne3A_436 : i1
          %sub3A_438 = arith.constant 1 : i32
          %sub3A_439 = arith.subi %div3A_418, %sub3A_438 : i32
          %select_n3A_440 = arith.select %and3A_437, %sub3A_439, %div3A_418 : i32
          %add3A_441 = arith.constant 0 : i32
          %add3A_442 = arith.addi %select_n3A_440, %add3A_441 : i32
          %dma_wait3A_443 = arith.constant 0 : i32
          %dma_wait3A_444 = arith.constant 0 : i32
          %dma_wait3A_445 = tpu.memref_slice %arg7[%dma_wait3A_443, %dma_wait3A_444] : memref<800x64xf32, #tpu.memory_space<vmem>> -> memref<200x64xf32, #tpu.memory_space<vmem>>
          %dma_wait3A_446 = arith.constant 0 : i32
          %dma_wait3A_447 = arith.constant 0 : i32
          %dma_wait3A_448 = tpu.memref_slice %arg4[%add3A_442, %dma_wait3A_446, %dma_wait3A_447] : memref<16384x200x64xf32, #tpu.memory_space<hbm>> -> memref<1x200x64xf32, #tpu.memory_space<hbm>>
          %dma_wait3A_449 = tpu.memref_squeeze %dma_wait3A_448 : memref<1x200x64xf32, #tpu.memory_space<hbm>> -> memref<200x64xf32, #tpu.memory_space<hbm>>
          %dma_wait3A_450 = arith.constant 0 : i32
          %dma_wait3A_451 = arith.constant 0 : i32
          %dma_wait3A_452 = tpu.memref_slice %arg4[%add3A_442, %dma_wait3A_450, %dma_wait3A_451] : memref<16384x200x64xf32, #tpu.memory_space<hbm>> -> memref<1x200x64xf32, #tpu.memory_space<hbm>>
          %dma_wait3A_453 = tpu.memref_squeeze %dma_wait3A_452 : memref<1x200x64xf32, #tpu.memory_space<hbm>> -> memref<200x64xf32, #tpu.memory_space<hbm>>
          %dma_wait3A_454 = arith.constant 0 : i32
          %dma_wait3A_455 = arith.constant 0 : i32
          %dma_wait3A_456 = tpu.memref_slice %arg7[%dma_wait3A_454, %dma_wait3A_455] : memref<800x64xf32, #tpu.memory_space<vmem>> -> memref<200x64xf32, #tpu.memory_space<vmem>>
          tpu.wait_dma2 semaphore(%arg11 : memref<!tpu.dma_semaphore, #tpu.memory_space<semaphore_mem>>) src(%dma_wait3A_456 : memref<200x64xf32, #tpu.memory_space<vmem>>) dst(%dma_wait3A_453 : memref<200x64xf32, #tpu.memory_space<hbm>>)
          %add3A_457 = arith.constant 1 : i32
          %add3A_458 = arith.addi %select_n3A_440, %add3A_457 : i32
          %dma_wait3A_459 = arith.constant 200 : i32
          %dma_wait3A_460 = arith.constant 0 : i32
          %dma_wait3A_461 = tpu.memref_slice %arg7[%dma_wait3A_459, %dma_wait3A_460] : memref<800x64xf32, #tpu.memory_space<vmem>> -> memref<200x64xf32, #tpu.memory_space<vmem>>
          %dma_wait3A_462 = arith.constant 0 : i32
          %dma_wait3A_463 = arith.constant 0 : i32
          %dma_wait3A_464 = tpu.memref_slice %arg4[%add3A_458, %dma_wait3A_462, %dma_wait3A_463] : memref<16384x200x64xf32, #tpu.memory_space<hbm>> -> memref<1x200x64xf32, #tpu.memory_space<hbm>>
          %dma_wait3A_465 = tpu.memref_squeeze %dma_wait3A_464 : memref<1x200x64xf32, #tpu.memory_space<hbm>> -> memref<200x64xf32, #tpu.memory_space<hbm>>
          %dma_wait3A_466 = arith.constant 0 : i32
          %dma_wait3A_467 = arith.constant 0 : i32
          %dma_wait3A_468 = tpu.memref_slice %arg4[%add3A_458, %dma_wait3A_466, %dma_wait3A_467] : memref<16384x200x64xf32, #tpu.memory_space<hbm>> -> memref<1x200x64xf32, #tpu.memory_space<hbm>>
          %dma_wait3A_469 = tpu.memref_squeeze %dma_wait3A_468 : memref<1x200x64xf32, #tpu.memory_space<hbm>> -> memref<200x64xf32, #tpu.memory_space<hbm>>
          %dma_wait3A_470 = arith.constant 200 : i32
          %dma_wait3A_471 = arith.constant 0 : i32
          %dma_wait3A_472 = tpu.memref_slice %arg7[%dma_wait3A_470, %dma_wait3A_471] : memref<800x64xf32, #tpu.memory_space<vmem>> -> memref<200x64xf32, #tpu.memory_space<vmem>>
          tpu.wait_dma2 semaphore(%arg11 : memref<!tpu.dma_semaphore, #tpu.memory_space<semaphore_mem>>) src(%dma_wait3A_472 : memref<200x64xf32, #tpu.memory_space<vmem>>) dst(%dma_wait3A_469 : memref<200x64xf32, #tpu.memory_space<hbm>>)
          %add3A_473 = arith.constant 2 : i32
          %add3A_474 = arith.addi %select_n3A_440, %add3A_473 : i32
          %dma_wait3A_475 = arith.constant 400 : i32
          %dma_wait3A_476 = arith.constant 0 : i32
          %dma_wait3A_477 = tpu.memref_slice %arg7[%dma_wait3A_475, %dma_wait3A_476] : memref<800x64xf32, #tpu.memory_space<vmem>> -> memref<200x64xf32, #tpu.memory_space<vmem>>
          %dma_wait3A_478 = arith.constant 0 : i32
          %dma_wait3A_479 = arith.constant 0 : i32
          %dma_wait3A_480 = tpu.memref_slice %arg4[%add3A_474, %dma_wait3A_478, %dma_wait3A_479] : memref<16384x200x64xf32, #tpu.memory_space<hbm>> -> memref<1x200x64xf32, #tpu.memory_space<hbm>>
          %dma_wait3A_481 = tpu.memref_squeeze %dma_wait3A_480 : memref<1x200x64xf32, #tpu.memory_space<hbm>> -> memref<200x64xf32, #tpu.memory_space<hbm>>
          %dma_wait3A_482 = arith.constant 0 : i32
          %dma_wait3A_483 = arith.constant 0 : i32
          %dma_wait3A_484 = tpu.memref_slice %arg4[%add3A_474, %dma_wait3A_482, %dma_wait3A_483] : memref<16384x200x64xf32, #tpu.memory_space<hbm>> -> memref<1x200x64xf32, #tpu.memory_space<hbm>>
          %dma_wait3A_485 = tpu.memref_squeeze %dma_wait3A_484 : memref<1x200x64xf32, #tpu.memory_space<hbm>> -> memref<200x64xf32, #tpu.memory_space<hbm>>
          %dma_wait3A_486 = arith.constant 400 : i32
          %dma_wait3A_487 = arith.constant 0 : i32
          %dma_wait3A_488 = tpu.memref_slice %arg7[%dma_wait3A_486, %dma_wait3A_487] : memref<800x64xf32, #tpu.memory_space<vmem>> -> memref<200x64xf32, #tpu.memory_space<vmem>>
          tpu.wait_dma2 semaphore(%arg11 : memref<!tpu.dma_semaphore, #tpu.memory_space<semaphore_mem>>) src(%dma_wait3A_488 : memref<200x64xf32, #tpu.memory_space<vmem>>) dst(%dma_wait3A_485 : memref<200x64xf32, #tpu.memory_space<hbm>>)
          %add3A_489 = arith.constant 3 : i32
          %add3A_490 = arith.addi %select_n3A_440, %add3A_489 : i32
          %dma_wait3A_491 = arith.constant 600 : i32
          %dma_wait3A_492 = arith.constant 0 : i32
          %dma_wait3A_493 = tpu.memref_slice %arg7[%dma_wait3A_491, %dma_wait3A_492] : memref<800x64xf32, #tpu.memory_space<vmem>> -> memref<200x64xf32, #tpu.memory_space<vmem>>
          %dma_wait3A_494 = arith.constant 0 : i32
          %dma_wait3A_495 = arith.constant 0 : i32
          %dma_wait3A_496 = tpu.memref_slice %arg4[%add3A_490, %dma_wait3A_494, %dma_wait3A_495] : memref<16384x200x64xf32, #tpu.memory_space<hbm>> -> memref<1x200x64xf32, #tpu.memory_space<hbm>>
          %dma_wait3A_497 = tpu.memref_squeeze %dma_wait3A_496 : memref<1x200x64xf32, #tpu.memory_space<hbm>> -> memref<200x64xf32, #tpu.memory_space<hbm>>
          %dma_wait3A_498 = arith.constant 0 : i32
          %dma_wait3A_499 = arith.constant 0 : i32
          %dma_wait3A_500 = tpu.memref_slice %arg4[%add3A_490, %dma_wait3A_498, %dma_wait3A_499] : memref<16384x200x64xf32, #tpu.memory_space<hbm>> -> memref<1x200x64xf32, #tpu.memory_space<hbm>>
          %dma_wait3A_501 = tpu.memref_squeeze %dma_wait3A_500 : memref<1x200x64xf32, #tpu.memory_space<hbm>> -> memref<200x64xf32, #tpu.memory_space<hbm>>
          %dma_wait3A_502 = arith.constant 600 : i32
          %dma_wait3A_503 = arith.constant 0 : i32
          %dma_wait3A_504 = tpu.memref_slice %arg7[%dma_wait3A_502, %dma_wait3A_503] : memref<800x64xf32, #tpu.memory_space<vmem>> -> memref<200x64xf32, #tpu.memory_space<vmem>>
          tpu.wait_dma2 semaphore(%arg11 : memref<!tpu.dma_semaphore, #tpu.memory_space<semaphore_mem>>) src(%dma_wait3A_504 : memref<200x64xf32, #tpu.memory_space<vmem>>) dst(%dma_wait3A_501 : memref<200x64xf32, #tpu.memory_space<hbm>>)
        } else {
        }
        %add3A_404 = arith.constant 1 : i32
        %add3A_405 = arith.addi %add3A_293, %add3A_404 : i32
        %mul3A_406 = arith.constant 800 : i32
        %mul3A_407 = arith.muli %add3A_405, %mul3A_406 : i32
        %add3A_408 = arith.addi %mul3A_2, %mul3A_407 : i32
        "tpu.region"() ({
          %run_scoped3A = tpu.sem_alloc : memref<!tpu.dma_semaphore, #tpu.memory_space<semaphore_mem>>
          %dma_start3A_412 = tpu.memref_slice %arg2[%add3A_408] : memref<3276800xi32, #tpu.memory_space<hbm>> -> memref<800xi32, #tpu.memory_space<hbm>>
          %dma_start3A_413 = tpu.memref_slice %arg2[%add3A_408] : memref<3276800xi32, #tpu.memory_space<hbm>> -> memref<800xi32, #tpu.memory_space<hbm>>
          tpu.enqueue_dma source(%dma_start3A_413 : memref<800xi32, #tpu.memory_space<hbm>>) target(%arg5 : memref<800xi32, #tpu.memory_space<vmem>>) target_semaphore(%run_scoped3A : memref<!tpu.dma_semaphore, #tpu.memory_space<semaphore_mem>>)
          %dma_wait3A_414 = tpu.memref_slice %arg2[%add3A_408] : memref<3276800xi32, #tpu.memory_space<hbm>> -> memref<800xi32, #tpu.memory_space<hbm>>
          %dma_wait3A_415 = tpu.memref_slice %arg2[%add3A_408] : memref<3276800xi32, #tpu.memory_space<hbm>> -> memref<800xi32, #tpu.memory_space<hbm>>
          tpu.wait_dma2 semaphore(%run_scoped3A : memref<!tpu.dma_semaphore, #tpu.memory_space<semaphore_mem>>) src(%dma_wait3A_415 : memref<800xi32, #tpu.memory_space<hbm>>) dst(%arg5 : memref<800xi32, #tpu.memory_space<vmem>>)
          tpu.yield
        }) : () -> ()
        %dma_start3A_409 = arith.constant 0 : i32
        %dma_start3A_410 = arith.constant 0 : i32
        %dma_start3A_411 = tpu.memref_slice %arg3[%dma_start3A_409, %dma_start3A_410] : memref<1000000x64xf32, #tpu.memory_space<hbm>> -> memref<1000000x64xf32, #tpu.memory_space<hbm>>
        tpu.enqueue_indirect_dma source(%dma_start3A_411 : memref<1000000x64xf32, #tpu.memory_space<hbm>>) target(%arg7 : memref<800x64xf32, #tpu.memory_space<vmem>>) offsets(%arg5 : memref<800xi32, #tpu.memory_space<vmem>>) semaphore(%arg9 : memref<!tpu.dma_semaphore, #tpu.memory_space<semaphore_mem>>)
      } else {
      }
      %dma_wait3A_301 = arith.constant 0 : i32
      %dma_wait3A_302 = arith.constant 0 : i32
      %dma_wait3A_303 = tpu.memref_slice %arg3[%dma_wait3A_301, %dma_wait3A_302] : memref<1000000x64xf32, #tpu.memory_space<hbm>> -> memref<1000000x64xf32, #tpu.memory_space<hbm>>
      tpu.wait_indirect_dma semaphore(%arg10 : memref<!tpu.dma_semaphore, #tpu.memory_space<semaphore_mem>>) src(%dma_wait3A_303 : memref<1000000x64xf32, #tpu.memory_space<hbm>>) dst(%arg8 : memref<800x64xf32, #tpu.memory_space<vmem>>)
      %scan3A_304 = arith.constant 0 : i32
      %scan3A_305 = arith.constant 800 : i32
      %scan3A_306 = arith.addi %scan3A_304, %scan3A_305 : i32
      %scan3A_307 = arith.constant 8 : i32
      scf.for %scan3A_400 = %scan3A_304 to %scan3A_306 step %scan3A_307  : i32 {
        %get3A = arith.index_cast %scan3A_400 : i32 to index
        %get3A_401 = arith.constant 0 : index
        %get3A_402 = tpu.vector_load %arg8[%get3A, %get3A_401] {strides = array<i32>} : memref<800x64xf32, #tpu.memory_space<vmem>>, vector<1x16xf32>,
        %get3A_403 = vector.shape_cast %get3A_402 : vector<1x16xf32> to vector<16xf32>
        %mul3A_404 = arith.constant 8.000000e+00 : f32
        %mul3A_405 = vector.broadcast %mul3A_404 : f32 to vector<16xf32>
        %mul3A_406 = arith.mulf %get3A_403, %mul3A_405 : vector<16xf32>
        %swap3A = arith.index_cast %scan3A_400 : i32 to index
        %swap3A_407 = arith.constant 0 : index
        %swap3A_408 = tpu.vector_load %arg8[%swap3A, %swap3A_407] {strides = array<i32>} : memref<800x64xf32, #tpu.memory_space<vmem>>, vector<1x16xf32>,
        %swap3A_409 = vector.shape_cast %swap3A_408 : vector<1x16xf32> to vector<16xf32>
        %swap3A_410 = vector.shape_cast %mul3A_406 : vector<16xf32> to vector<1x16xf32>
        tpu.vector_store %arg8[%swap3A, %swap3A_407], %swap3A_410 {strides = array<i32>} : memref<800x64xf32, #tpu.memory_space<vmem>>, vector<1x16xf32>,
        %get3A_411 = arith.index_cast %scan3A_400 : i32 to index
        %get3A_412 = arith.constant 16 : index
        %get3A_413 = tpu.vector_load %arg8[%get3A_411, %get3A_412] {strides = array<i32>} : memref<800x64xf32, #tpu.memory_space<vmem>>, vector<1x16xf32>,
        %get3A_414 = vector.shape_cast %get3A_413 : vector<1x16xf32> to vector<16xf32>
        %mul3A_415 = arith.constant 8.000000e+00 : f32
        %mul3A_416 = vector.broadcast %mul3A_415 : f32 to vector<16xf32>
        %mul3A_417 = arith.mulf %get3A_414, %mul3A_416 : vector<16xf32>
        %swap3A_418 = arith.index_cast %scan3A_400 : i32 to index
        %swap3A_419 = arith.constant 16 : index
        %swap3A_420 = tpu.vector_load %arg8[%swap3A_418, %swap3A_419] {strides = array<i32>} : memref<800x64xf32, #tpu.memory_space<vmem>>, vector<1x16xf32>,
        %swap3A_421 = vector.shape_cast %swap3A_420 : vector<1x16xf32> to vector<16xf32>
        %swap3A_422 = vector.shape_cast %mul3A_417 : vector<16xf32> to vector<1x16xf32>
        tpu.vector_store %arg8[%swap3A_418, %swap3A_419], %swap3A_422 {strides = array<i32>} : memref<800x64xf32, #tpu.memory_space<vmem>>, vector<1x16xf32>,
        %get3A_423 = arith.index_cast %scan3A_400 : i32 to index
        %get3A_424 = arith.constant 32 : index
        %get3A_425 = tpu.vector_load %arg8[%get3A_423, %get3A_424] {strides = array<i32>} : memref<800x64xf32, #tpu.memory_space<vmem>>, vector<1x16xf32>,
        %get3A_426 = vector.shape_cast %get3A_425 : vector<1x16xf32> to vector<16xf32>
        %mul3A_427 = arith.constant 8.000000e+00 : f32
        %mul3A_428 = vector.broadcast %mul3A_427 : f32 to vector<16xf32>
        %mul3A_429 = arith.mulf %get3A_426, %mul3A_428 : vector<16xf32>
        %swap3A_430 = arith.index_cast %scan3A_400 : i32 to index
        %swap3A_431 = arith.constant 32 : index
        %swap3A_432 = tpu.vector_load %arg8[%swap3A_430, %swap3A_431] {strides = array<i32>} : memref<800x64xf32, #tpu.memory_space<vmem>>, vector<1x16xf32>,
        %swap3A_433 = vector.shape_cast %swap3A_432 : vector<1x16xf32> to vector<16xf32>
        %swap3A_434 = vector.shape_cast %mul3A_429 : vector<16xf32> to vector<1x16xf32>
        tpu.vector_store %arg8[%swap3A_430, %swap3A_431], %swap3A_434 {strides = array<i32>} : memref<800x64xf32, #tpu.memory_space<vmem>>, vector<1x16xf32>,
        %get3A_435 = arith.index_cast %scan3A_400 : i32 to index
        %get3A_436 = arith.constant 48 : index
        %get3A_437 = tpu.vector_load %arg8[%get3A_435, %get3A_436] {strides = array<i32>} : memref<800x64xf32, #tpu.memory_space<vmem>>, vector<1x16xf32>,
        %get3A_438 = vector.shape_cast %get3A_437 : vector<1x16xf32> to vector<16xf32>
        %mul3A_439 = arith.constant 8.000000e+00 : f32
        %mul3A_440 = vector.broadcast %mul3A_439 : f32 to vector<16xf32>
        %mul3A_441 = arith.mulf %get3A_438, %mul3A_440 : vector<16xf32>
        %swap3A_442 = arith.index_cast %scan3A_400 : i32 to index
        %swap3A_443 = arith.constant 48 : index
        %swap3A_444 = tpu.vector_load %arg8[%swap3A_442, %swap3A_443] {strides = array<i32>} : memref<800x64xf32, #tpu.memory_space<vmem>>, vector<1x16xf32>,
        %swap3A_445 = vector.shape_cast %swap3A_444 : vector<1x16xf32> to vector<16xf32>
        %swap3A_446 = vector.shape_cast %mul3A_441 : vector<16xf32> to vector<1x16xf32>
        tpu.vector_store %arg8[%swap3A_442, %swap3A_443], %swap3A_446 {strides = array<i32>} : memref<800x64xf32, #tpu.memory_space<vmem>>, vector<1x16xf32>,
        %scan3A_447 = arith.constant 1 : i32
        %scan3A_448 = arith.addi %scan3A_400, %scan3A_447 : i32
        %get3A_449 = arith.index_cast %scan3A_448 : i32 to index
        %get3A_450 = arith.constant 0 : index
        %get3A_451 = tpu.vector_load %arg8[%get3A_449, %get3A_450] {strides = array<i32>} : memref<800x64xf32, #tpu.memory_space<vmem>>, vector<1x16xf32>,
        %get3A_452 = vector.shape_cast %get3A_451 : vector<1x16xf32> to vector<16xf32>
        %mul3A_453 = arith.constant 8.000000e+00 : f32
        %mul3A_454 = vector.broadcast %mul3A_453 : f32 to vector<16xf32>
        %mul3A_455 = arith.mulf %get3A_452, %mul3A_454 : vector<16xf32>
        %swap3A_456 = arith.index_cast %scan3A_448 : i32 to index
        %swap3A_457 = arith.constant 0 : index
        %swap3A_458 = tpu.vector_load %arg8[%swap3A_456, %swap3A_457] {strides = array<i32>} : memref<800x64xf32, #tpu.memory_space<vmem>>, vector<1x16xf32>,
        %swap3A_459 = vector.shape_cast %swap3A_458 : vector<1x16xf32> to vector<16xf32>
        %swap3A_460 = vector.shape_cast %mul3A_455 : vector<16xf32> to vector<1x16xf32>
        tpu.vector_store %arg8[%swap3A_456, %swap3A_457], %swap3A_460 {strides = array<i32>} : memref<800x64xf32, #tpu.memory_space<vmem>>, vector<1x16xf32>,
        %get3A_461 = arith.index_cast %scan3A_448 : i32 to index
        %get3A_462 = arith.constant 16 : index
        %get3A_463 = tpu.vector_load %arg8[%get3A_461, %get3A_462] {strides = array<i32>} : memref<800x64xf32, #tpu.memory_space<vmem>>, vector<1x16xf32>,
        %get3A_464 = vector.shape_cast %get3A_463 : vector<1x16xf32> to vector<16xf32>
        %mul3A_465 = arith.constant 8.000000e+00 : f32
        %mul3A_466 = vector.broadcast %mul3A_465 : f32 to vector<16xf32>
        %mul3A_467 = arith.mulf %get3A_464, %mul3A_466 : vector<16xf32>
        %swap3A_468 = arith.index_cast %scan3A_448 : i32 to index
        %swap3A_469 = arith.constant 16 : index
        %swap3A_470 = tpu.vector_load %arg8[%swap3A_468, %swap3A_469] {strides = array<i32>} : memref<800x64xf32, #tpu.memory_space<vmem>>, vector<1x16xf32>,
        %swap3A_471 = vector.shape_cast %swap3A_470 : vector<1x16xf32> to vector<16xf32>
        %swap3A_472 = vector.shape_cast %mul3A_467 : vector<16xf32> to vector<1x16xf32>
        tpu.vector_store %arg8[%swap3A_468, %swap3A_469], %swap3A_472 {strides = array<i32>} : memref<800x64xf32, #tpu.memory_space<vmem>>, vector<1x16xf32>,
        %get3A_473 = arith.index_cast %scan3A_448 : i32 to index
        %get3A_474 = arith.constant 32 : index
        %get3A_475 = tpu.vector_load %arg8[%get3A_473, %get3A_474] {strides = array<i32>} : memref<800x64xf32, #tpu.memory_space<vmem>>, vector<1x16xf32>,
        %get3A_476 = vector.shape_cast %get3A_475 : vector<1x16xf32> to vector<16xf32>
        %mul3A_477 = arith.constant 8.000000e+00 : f32
        %mul3A_478 = vector.broadcast %mul3A_477 : f32 to vector<16xf32>
        %mul3A_479 = arith.mulf %get3A_476, %mul3A_478 : vector<16xf32>
        %swap3A_480 = arith.index_cast %scan3A_448 : i32 to index
        %swap3A_481 = arith.constant 32 : index
        %swap3A_482 = tpu.vector_load %arg8[%swap3A_480, %swap3A_481] {strides = array<i32>} : memref<800x64xf32, #tpu.memory_space<vmem>>, vector<1x16xf32>,
        %swap3A_483 = vector.shape_cast %swap3A_482 : vector<1x16xf32> to vector<16xf32>
        %swap3A_484 = vector.shape_cast %mul3A_479 : vector<16xf32> to vector<1x16xf32>
        tpu.vector_store %arg8[%swap3A_480, %swap3A_481], %swap3A_484 {strides = array<i32>} : memref<800x64xf32, #tpu.memory_space<vmem>>, vector<1x16xf32>,
        %get3A_485 = arith.index_cast %scan3A_448 : i32 to index
        %get3A_486 = arith.constant 48 : index
        %get3A_487 = tpu.vector_load %arg8[%get3A_485, %get3A_486] {strides = array<i32>} : memref<800x64xf32, #tpu.memory_space<vmem>>, vector<1x16xf32>,
        %get3A_488 = vector.shape_cast %get3A_487 : vector<1x16xf32> to vector<16xf32>
        %mul3A_489 = arith.constant 8.000000e+00 : f32
        %mul3A_490 = vector.broadcast %mul3A_489 : f32 to vector<16xf32>
        %mul3A_491 = arith.mulf %get3A_488, %mul3A_490 : vector<16xf32>
        %swap3A_492 = arith.index_cast %scan3A_448 : i32 to index
        %swap3A_493 = arith.constant 48 : index
        %swap3A_494 = tpu.vector_load %arg8[%swap3A_492, %swap3A_493] {strides = array<i32>} : memref<800x64xf32, #tpu.memory_space<vmem>>, vector<1x16xf32>,
        %swap3A_495 = vector.shape_cast %swap3A_494 : vector<1x16xf32> to vector<16xf32>
        %swap3A_496 = vector.shape_cast %mul3A_491 : vector<16xf32> to vector<1x16xf32>
        tpu.vector_store %arg8[%swap3A_492, %swap3A_493], %swap3A_496 {strides = array<i32>} : memref<800x64xf32, #tpu.memory_space<vmem>>, vector<1x16xf32>,
        %scan3A_497 = arith.constant 2 : i32
        %scan3A_498 = arith.addi %scan3A_400, %scan3A_497 : i32
        %get3A_499 = arith.index_cast %scan3A_498 : i32 to index
        %get3A_500 = arith.constant 0 : index
        %get3A_501 = tpu.vector_load %arg8[%get3A_499, %get3A_500] {strides = array<i32>} : memref<800x64xf32, #tpu.memory_space<vmem>>, vector<1x16xf32>,
        %get3A_502 = vector.shape_cast %get3A_501 : vector<1x16xf32> to vector<16xf32>
        %mul3A_503 = arith.constant 8.000000e+00 : f32
        %mul3A_504 = vector.broadcast %mul3A_503 : f32 to vector<16xf32>
        %mul3A_505 = arith.mulf %get3A_502, %mul3A_504 : vector<16xf32>
        %swap3A_506 = arith.index_cast %scan3A_498 : i32 to index
        %swap3A_507 = arith.constant 0 : index
        %swap3A_508 = tpu.vector_load %arg8[%swap3A_506, %swap3A_507] {strides = array<i32>} : memref<800x64xf32, #tpu.memory_space<vmem>>, vector<1x16xf32>,
        %swap3A_509 = vector.shape_cast %swap3A_508 : vector<1x16xf32> to vector<16xf32>
        %swap3A_510 = vector.shape_cast %mul3A_505 : vector<16xf32> to vector<1x16xf32>
        tpu.vector_store %arg8[%swap3A_506, %swap3A_507], %swap3A_510 {strides = array<i32>} : memref<800x64xf32, #tpu.memory_space<vmem>>, vector<1x16xf32>,
        %get3A_511 = arith.index_cast %scan3A_498 : i32 to index
        %get3A_512 = arith.constant 16 : index
        %get3A_513 = tpu.vector_load %arg8[%get3A_511, %get3A_512] {strides = array<i32>} : memref<800x64xf32, #tpu.memory_space<vmem>>, vector<1x16xf32>,
        %get3A_514 = vector.shape_cast %get3A_513 : vector<1x16xf32> to vector<16xf32>
        %mul3A_515 = arith.constant 8.000000e+00 : f32
        %mul3A_516 = vector.broadcast %mul3A_515 : f32 to vector<16xf32>
        %mul3A_517 = arith.mulf %get3A_514, %mul3A_516 : vector<16xf32>
        %swap3A_518 = arith.index_cast %scan3A_498 : i32 to index
        %swap3A_519 = arith.constant 16 : index
        %swap3A_520 = tpu.vector_load %arg8[%swap3A_518, %swap3A_519] {strides = array<i32>} : memref<800x64xf32, #tpu.memory_space<vmem>>, vector<1x16xf32>,
        %swap3A_521 = vector.shape_cast %swap3A_520 : vector<1x16xf32> to vector<16xf32>
        %swap3A_522 = vector.shape_cast %mul3A_517 : vector<16xf32> to vector<1x16xf32>
        tpu.vector_store %arg8[%swap3A_518, %swap3A_519], %swap3A_522 {strides = array<i32>} : memref<800x64xf32, #tpu.memory_space<vmem>>, vector<1x16xf32>,
        %get3A_523 = arith.index_cast %scan3A_498 : i32 to index
        %get3A_524 = arith.constant 32 : index
        %get3A_525 = tpu.vector_load %arg8[%get3A_523, %get3A_524] {strides = array<i32>} : memref<800x64xf32, #tpu.memory_space<vmem>>, vector<1x16xf32>,
        %get3A_526 = vector.shape_cast %get3A_525 : vector<1x16xf32> to vector<16xf32>
        %mul3A_527 = arith.constant 8.000000e+00 : f32
        %mul3A_528 = vector.broadcast %mul3A_527 : f32 to vector<16xf32>
        %mul3A_529 = arith.mulf %get3A_526, %mul3A_528 : vector<16xf32>
        %swap3A_530 = arith.index_cast %scan3A_498 : i32 to index
        %swap3A_531 = arith.constant 32 : index
        %swap3A_532 = tpu.vector_load %arg8[%swap3A_530, %swap3A_531] {strides = array<i32>} : memref<800x64xf32, #tpu.memory_space<vmem>>, vector<1x16xf32>,
        %swap3A_533 = vector.shape_cast %swap3A_532 : vector<1x16xf32> to vector<16xf32>
        %swap3A_534 = vector.shape_cast %mul3A_529 : vector<16xf32> to vector<1x16xf32>
        tpu.vector_store %arg8[%swap3A_530, %swap3A_531], %swap3A_534 {strides = array<i32>} : memref<800x64xf32, #tpu.memory_space<vmem>>, vector<1x16xf32>,
        %get3A_535 = arith.index_cast %scan3A_498 : i32 to index
        %get3A_536 = arith.constant 48 : index
        %get3A_537 = tpu.vector_load %arg8[%get3A_535, %get3A_536] {strides = array<i32>} : memref<800x64xf32, #tpu.memory_space<vmem>>, vector<1x16xf32>,
        %get3A_538 = vector.shape_cast %get3A_537 : vector<1x16xf32> to vector<16xf32>
        %mul3A_539 = arith.constant 8.000000e+00 : f32
        %mul3A_540 = vector.broadcast %mul3A_539 : f32 to vector<16xf32>
        %mul3A_541 = arith.mulf %get3A_538, %mul3A_540 : vector<16xf32>
        %swap3A_542 = arith.index_cast %scan3A_498 : i32 to index
        %swap3A_543 = arith.constant 48 : index
        %swap3A_544 = tpu.vector_load %arg8[%swap3A_542, %swap3A_543] {strides = array<i32>} : memref<800x64xf32, #tpu.memory_space<vmem>>, vector<1x16xf32>,
        %swap3A_545 = vector.shape_cast %swap3A_544 : vector<1x16xf32> to vector<16xf32>
        %swap3A_546 = vector.shape_cast %mul3A_541 : vector<16xf32> to vector<1x16xf32>
        tpu.vector_store %arg8[%swap3A_542, %swap3A_543], %swap3A_546 {strides = array<i32>} : memref<800x64xf32, #tpu.memory_space<vmem>>, vector<1x16xf32>,
        %scan3A_547 = arith.constant 3 : i32
        %scan3A_548 = arith.addi %scan3A_400, %scan3A_547 : i32
        %get3A_549 = arith.index_cast %scan3A_548 : i32 to index
        %get3A_550 = arith.constant 0 : index
        %get3A_551 = tpu.vector_load %arg8[%get3A_549, %get3A_550] {strides = array<i32>} : memref<800x64xf32, #tpu.memory_space<vmem>>, vector<1x16xf32>,
        %get3A_552 = vector.shape_cast %get3A_551 : vector<1x16xf32> to vector<16xf32>
        %mul3A_553 = arith.constant 8.000000e+00 : f32
        %mul3A_554 = vector.broadcast %mul3A_553 : f32 to vector<16xf32>
        %mul3A_555 = arith.mulf %get3A_552, %mul3A_554 : vector<16xf32>
        %swap3A_556 = arith.index_cast %scan3A_548 : i32 to index
        %swap3A_557 = arith.constant 0 : index
        %swap3A_558 = tpu.vector_load %arg8[%swap3A_556, %swap3A_557] {strides = array<i32>} : memref<800x64xf32, #tpu.memory_space<vmem>>, vector<1x16xf32>,
        %swap3A_559 = vector.shape_cast %swap3A_558 : vector<1x16xf32> to vector<16xf32>
        %swap3A_560 = vector.shape_cast %mul3A_555 : vector<16xf32> to vector<1x16xf32>
        tpu.vector_store %arg8[%swap3A_556, %swap3A_557], %swap3A_560 {strides = array<i32>} : memref<800x64xf32, #tpu.memory_space<vmem>>, vector<1x16xf32>,
        %get3A_561 = arith.index_cast %scan3A_548 : i32 to index
        %get3A_562 = arith.constant 16 : index
        %get3A_563 = tpu.vector_load %arg8[%get3A_561, %get3A_562] {strides = array<i32>} : memref<800x64xf32, #tpu.memory_space<vmem>>, vector<1x16xf32>,
        %get3A_564 = vector.shape_cast %get3A_563 : vector<1x16xf32> to vector<16xf32>
        %mul3A_565 = arith.constant 8.000000e+00 : f32
        %mul3A_566 = vector.broadcast %mul3A_565 : f32 to vector<16xf32>
        %mul3A_567 = arith.mulf %get3A_564, %mul3A_566 : vector<16xf32>
        %swap3A_568 = arith.index_cast %scan3A_548 : i32 to index
        %swap3A_569 = arith.constant 16 : index
        %swap3A_570 = tpu.vector_load %arg8[%swap3A_568, %swap3A_569] {strides = array<i32>} : memref<800x64xf32, #tpu.memory_space<vmem>>, vector<1x16xf32>,
        %swap3A_571 = vector.shape_cast %swap3A_570 : vector<1x16xf32> to vector<16xf32>
        %swap3A_572 = vector.shape_cast %mul3A_567 : vector<16xf32> to vector<1x16xf32>
        tpu.vector_store %arg8[%swap3A_568, %swap3A_569], %swap3A_572 {strides = array<i32>} : memref<800x64xf32, #tpu.memory_space<vmem>>, vector<1x16xf32>,
        %get3A_573 = arith.index_cast %scan3A_548 : i32 to index
        %get3A_574 = arith.constant 32 : index
        %get3A_575 = tpu.vector_load %arg8[%get3A_573, %get3A_574] {strides = array<i32>} : memref<800x64xf32, #tpu.memory_space<vmem>>, vector<1x16xf32>,
        %get3A_576 = vector.shape_cast %get3A_575 : vector<1x16xf32> to vector<16xf32>
        %mul3A_577 = arith.constant 8.000000e+00 : f32
        %mul3A_578 = vector.broadcast %mul3A_577 : f32 to vector<16xf32>
        %mul3A_579 = arith.mulf %get3A_576, %mul3A_578 : vector<16xf32>
        %swap3A_580 = arith.index_cast %scan3A_548 : i32 to index
        %swap3A_581 = arith.constant 32 : index
        %swap3A_582 = tpu.vector_load %arg8[%swap3A_580, %swap3A_581] {strides = array<i32>} : memref<800x64xf32, #tpu.memory_space<vmem>>, vector<1x16xf32>,
        %swap3A_583 = vector.shape_cast %swap3A_582 : vector<1x16xf32> to vector<16xf32>
        %swap3A_584 = vector.shape_cast %mul3A_579 : vector<16xf32> to vector<1x16xf32>
        tpu.vector_store %arg8[%swap3A_580, %swap3A_581], %swap3A_584 {strides = array<i32>} : memref<800x64xf32, #tpu.memory_space<vmem>>, vector<1x16xf32>,
        %get3A_585 = arith.index_cast %scan3A_548 : i32 to index
        %get3A_586 = arith.constant 48 : index
        %get3A_587 = tpu.vector_load %arg8[%get3A_585, %get3A_586] {strides = array<i32>} : memref<800x64xf32, #tpu.memory_space<vmem>>, vector<1x16xf32>,
        %get3A_588 = vector.shape_cast %get3A_587 : vector<1x16xf32> to vector<16xf32>
        %mul3A_589 = arith.constant 8.000000e+00 : f32
        %mul3A_590 = vector.broadcast %mul3A_589 : f32 to vector<16xf32>
        %mul3A_591 = arith.mulf %get3A_588, %mul3A_590 : vector<16xf32>
        %swap3A_592 = arith.index_cast %scan3A_548 : i32 to index
        %swap3A_593 = arith.constant 48 : index
        %swap3A_594 = tpu.vector_load %arg8[%swap3A_592, %swap3A_593] {strides = array<i32>} : memref<800x64xf32, #tpu.memory_space<vmem>>, vector<1x16xf32>,
        %swap3A_595 = vector.shape_cast %swap3A_594 : vector<1x16xf32> to vector<16xf32>
        %swap3A_596 = vector.shape_cast %mul3A_591 : vector<16xf32> to vector<1x16xf32>
        tpu.vector_store %arg8[%swap3A_592, %swap3A_593], %swap3A_596 {strides = array<i32>} : memref<800x64xf32, #tpu.memory_space<vmem>>, vector<1x16xf32>,
        %scan3A_597 = arith.constant 4 : i32
        %scan3A_598 = arith.addi %scan3A_400, %scan3A_597 : i32
        %get3A_599 = arith.index_cast %scan3A_598 : i32 to index
        %get3A_600 = arith.constant 0 : index
        %get3A_601 = tpu.vector_load %arg8[%get3A_599, %get3A_600] {strides = array<i32>} : memref<800x64xf32, #tpu.memory_space<vmem>>, vector<1x16xf32>,
        %get3A_602 = vector.shape_cast %get3A_601 : vector<1x16xf32> to vector<16xf32>
        %mul3A_603 = arith.constant 8.000000e+00 : f32
        %mul3A_604 = vector.broadcast %mul3A_603 : f32 to vector<16xf32>
        %mul3A_605 = arith.mulf %get3A_602, %mul3A_604 : vector<16xf32>
        %swap3A_606 = arith.index_cast %scan3A_598 : i32 to index
        %swap3A_607 = arith.constant 0 : index
        %swap3A_608 = tpu.vector_load %arg8[%swap3A_606, %swap3A_607] {strides = array<i32>} : memref<800x64xf32, #tpu.memory_space<vmem>>, vector<1x16xf32>,
        %swap3A_609 = vector.shape_cast %swap3A_608 : vector<1x16xf32> to vector<16xf32>
        %swap3A_610 = vector.shape_cast %mul3A_605 : vector<16xf32> to vector<1x16xf32>
        tpu.vector_store %arg8[%swap3A_606, %swap3A_607], %swap3A_610 {strides = array<i32>} : memref<800x64xf32, #tpu.memory_space<vmem>>, vector<1x16xf32>,
        %get3A_611 = arith.index_cast %scan3A_598 : i32 to index
        %get3A_612 = arith.constant 16 : index
        %get3A_613 = tpu.vector_load %arg8[%get3A_611, %get3A_612] {strides = array<i32>} : memref<800x64xf32, #tpu.memory_space<vmem>>, vector<1x16xf32>,
        %get3A_614 = vector.shape_cast %get3A_613 : vector<1x16xf32> to vector<16xf32>
        %mul3A_615 = arith.constant 8.000000e+00 : f32
        %mul3A_616 = vector.broadcast %mul3A_615 : f32 to vector<16xf32>
        %mul3A_617 = arith.mulf %get3A_614, %mul3A_616 : vector<16xf32>
        %swap3A_618 = arith.index_cast %scan3A_598 : i32 to index
        %swap3A_619 = arith.constant 16 : index
        %swap3A_620 = tpu.vector_load %arg8[%swap3A_618, %swap3A_619] {strides = array<i32>} : memref<800x64xf32, #tpu.memory_space<vmem>>, vector<1x16xf32>,
        %swap3A_621 = vector.shape_cast %swap3A_620 : vector<1x16xf32> to vector<16xf32>
        %swap3A_622 = vector.shape_cast %mul3A_617 : vector<16xf32> to vector<1x16xf32>
        tpu.vector_store %arg8[%swap3A_618, %swap3A_619], %swap3A_622 {strides = array<i32>} : memref<800x64xf32, #tpu.memory_space<vmem>>, vector<1x16xf32>,
        %get3A_623 = arith.index_cast %scan3A_598 : i32 to index
        %get3A_624 = arith.constant 32 : index
        %get3A_625 = tpu.vector_load %arg8[%get3A_623, %get3A_624] {strides = array<i32>} : memref<800x64xf32, #tpu.memory_space<vmem>>, vector<1x16xf32>,
        %get3A_626 = vector.shape_cast %get3A_625 : vector<1x16xf32> to vector<16xf32>
        %mul3A_627 = arith.constant 8.000000e+00 : f32
        %mul3A_628 = vector.broadcast %mul3A_627 : f32 to vector<16xf32>
        %mul3A_629 = arith.mulf %get3A_626, %mul3A_628 : vector<16xf32>
        %swap3A_630 = arith.index_cast %scan3A_598 : i32 to index
        %swap3A_631 = arith.constant 32 : index
        %swap3A_632 = tpu.vector_load %arg8[%swap3A_630, %swap3A_631] {strides = array<i32>} : memref<800x64xf32, #tpu.memory_space<vmem>>, vector<1x16xf32>,
        %swap3A_633 = vector.shape_cast %swap3A_632 : vector<1x16xf32> to vector<16xf32>
        %swap3A_634 = vector.shape_cast %mul3A_629 : vector<16xf32> to vector<1x16xf32>
        tpu.vector_store %arg8[%swap3A_630, %swap3A_631], %swap3A_634 {strides = array<i32>} : memref<800x64xf32, #tpu.memory_space<vmem>>, vector<1x16xf32>,
        %get3A_635 = arith.index_cast %scan3A_598 : i32 to index
        %get3A_636 = arith.constant 48 : index
        %get3A_637 = tpu.vector_load %arg8[%get3A_635, %get3A_636] {strides = array<i32>} : memref<800x64xf32, #tpu.memory_space<vmem>>, vector<1x16xf32>,
        %get3A_638 = vector.shape_cast %get3A_637 : vector<1x16xf32> to vector<16xf32>
        %mul3A_639 = arith.constant 8.000000e+00 : f32
        %mul3A_640 = vector.broadcast %mul3A_639 : f32 to vector<16xf32>
        %mul3A_641 = arith.mulf %get3A_638, %mul3A_640 : vector<16xf32>
        %swap3A_642 = arith.index_cast %scan3A_598 : i32 to index
        %swap3A_643 = arith.constant 48 : index
        %swap3A_644 = tpu.vector_load %arg8[%swap3A_642, %swap3A_643] {strides = array<i32>} : memref<800x64xf32, #tpu.memory_space<vmem>>, vector<1x16xf32>,
        %swap3A_645 = vector.shape_cast %swap3A_644 : vector<1x16xf32> to vector<16xf32>
        %swap3A_646 = vector.shape_cast %mul3A_641 : vector<16xf32> to vector<1x16xf32>
        tpu.vector_store %arg8[%swap3A_642, %swap3A_643], %swap3A_646 {strides = array<i32>} : memref<800x64xf32, #tpu.memory_space<vmem>>, vector<1x16xf32>,
        %scan3A_647 = arith.constant 5 : i32
        %scan3A_648 = arith.addi %scan3A_400, %scan3A_647 : i32
        %get3A_649 = arith.index_cast %scan3A_648 : i32 to index
        %get3A_650 = arith.constant 0 : index
        %get3A_651 = tpu.vector_load %arg8[%get3A_649, %get3A_650] {strides = array<i32>} : memref<800x64xf32, #tpu.memory_space<vmem>>, vector<1x16xf32>,
        %get3A_652 = vector.shape_cast %get3A_651 : vector<1x16xf32> to vector<16xf32>
        %mul3A_653 = arith.constant 8.000000e+00 : f32
        %mul3A_654 = vector.broadcast %mul3A_653 : f32 to vector<16xf32>
        %mul3A_655 = arith.mulf %get3A_652, %mul3A_654 : vector<16xf32>
        %swap3A_656 = arith.index_cast %scan3A_648 : i32 to index
        %swap3A_657 = arith.constant 0 : index
        %swap3A_658 = tpu.vector_load %arg8[%swap3A_656, %swap3A_657] {strides = array<i32>} : memref<800x64xf32, #tpu.memory_space<vmem>>, vector<1x16xf32>,
        %swap3A_659 = vector.shape_cast %swap3A_658 : vector<1x16xf32> to vector<16xf32>
        %swap3A_660 = vector.shape_cast %mul3A_655 : vector<16xf32> to vector<1x16xf32>
        tpu.vector_store %arg8[%swap3A_656, %swap3A_657], %swap3A_660 {strides = array<i32>} : memref<800x64xf32, #tpu.memory_space<vmem>>, vector<1x16xf32>,
        %get3A_661 = arith.index_cast %scan3A_648 : i32 to index
        %get3A_662 = arith.constant 16 : index
        %get3A_663 = tpu.vector_load %arg8[%get3A_661, %get3A_662] {strides = array<i32>} : memref<800x64xf32, #tpu.memory_space<vmem>>, vector<1x16xf32>,
        %get3A_664 = vector.shape_cast %get3A_663 : vector<1x16xf32> to vector<16xf32>
        %mul3A_665 = arith.constant 8.000000e+00 : f32
        %mul3A_666 = vector.broadcast %mul3A_665 : f32 to vector<16xf32>
        %mul3A_667 = arith.mulf %get3A_664, %mul3A_666 : vector<16xf32>
        %swap3A_668 = arith.index_cast %scan3A_648 : i32 to index
        %swap3A_669 = arith.constant 16 : index
        %swap3A_670 = tpu.vector_load %arg8[%swap3A_668, %swap3A_669] {strides = array<i32>} : memref<800x64xf32, #tpu.memory_space<vmem>>, vector<1x16xf32>,
        %swap3A_671 = vector.shape_cast %swap3A_670 : vector<1x16xf32> to vector<16xf32>
        %swap3A_672 = vector.shape_cast %mul3A_667 : vector<16xf32> to vector<1x16xf32>
        tpu.vector_store %arg8[%swap3A_668, %swap3A_669], %swap3A_672 {strides = array<i32>} : memref<800x64xf32, #tpu.memory_space<vmem>>, vector<1x16xf32>,
        %get3A_673 = arith.index_cast %scan3A_648 : i32 to index
        %get3A_674 = arith.constant 32 : index
        %get3A_675 = tpu.vector_load %arg8[%get3A_673, %get3A_674] {strides = array<i32>} : memref<800x64xf32, #tpu.memory_space<vmem>>, vector<1x16xf32>,
        %get3A_676 = vector.shape_cast %get3A_675 : vector<1x16xf32> to vector<16xf32>
        %mul3A_677 = arith.constant 8.000000e+00 : f32
        %mul3A_678 = vector.broadcast %mul3A_677 : f32 to vector<16xf32>
        %mul3A_679 = arith.mulf %get3A_676, %mul3A_678 : vector<16xf32>
        %swap3A_680 = arith.index_cast %scan3A_648 : i32 to index
        %swap3A_681 = arith.constant 32 : index
        %swap3A_682 = tpu.vector_load %arg8[%swap3A_680, %swap3A_681] {strides = array<i32>} : memref<800x64xf32, #tpu.memory_space<vmem>>, vector<1x16xf32>,
        %swap3A_683 = vector.shape_cast %swap3A_682 : vector<1x16xf32> to vector<16xf32>
        %swap3A_684 = vector.shape_cast %mul3A_679 : vector<16xf32> to vector<1x16xf32>
        tpu.vector_store %arg8[%swap3A_680, %swap3A_681], %swap3A_684 {strides = array<i32>} : memref<800x64xf32, #tpu.memory_space<vmem>>, vector<1x16xf32>,
        %get3A_685 = arith.index_cast %scan3A_648 : i32 to index
        %get3A_686 = arith.constant 48 : index
        %get3A_687 = tpu.vector_load %arg8[%get3A_685, %get3A_686] {strides = array<i32>} : memref<800x64xf32, #tpu.memory_space<vmem>>, vector<1x16xf32>,
        %get3A_688 = vector.shape_cast %get3A_687 : vector<1x16xf32> to vector<16xf32>
        %mul3A_689 = arith.constant 8.000000e+00 : f32
        %mul3A_690 = vector.broadcast %mul3A_689 : f32 to vector<16xf32>
        %mul3A_691 = arith.mulf %get3A_688, %mul3A_690 : vector<16xf32>
        %swap3A_692 = arith.index_cast %scan3A_648 : i32 to index
        %swap3A_693 = arith.constant 48 : index
        %swap3A_694 = tpu.vector_load %arg8[%swap3A_692, %swap3A_693] {strides = array<i32>} : memref<800x64xf32, #tpu.memory_space<vmem>>, vector<1x16xf32>,
        %swap3A_695 = vector.shape_cast %swap3A_694 : vector<1x16xf32> to vector<16xf32>
        %swap3A_696 = vector.shape_cast %mul3A_691 : vector<16xf32> to vector<1x16xf32>
        tpu.vector_store %arg8[%swap3A_692, %swap3A_693], %swap3A_696 {strides = array<i32>} : memref<800x64xf32, #tpu.memory_space<vmem>>, vector<1x16xf32>,
        %scan3A_697 = arith.constant 6 : i32
        %scan3A_698 = arith.addi %scan3A_400, %scan3A_697 : i32
        %get3A_699 = arith.index_cast %scan3A_698 : i32 to index
        %get3A_700 = arith.constant 0 : index
        %get3A_701 = tpu.vector_load %arg8[%get3A_699, %get3A_700] {strides = array<i32>} : memref<800x64xf32, #tpu.memory_space<vmem>>, vector<1x16xf32>,
        %get3A_702 = vector.shape_cast %get3A_701 : vector<1x16xf32> to vector<16xf32>
        %mul3A_703 = arith.constant 8.000000e+00 : f32
        %mul3A_704 = vector.broadcast %mul3A_703 : f32 to vector<16xf32>
        %mul3A_705 = arith.mulf %get3A_702, %mul3A_704 : vector<16xf32>
        %swap3A_706 = arith.index_cast %scan3A_698 : i32 to index
        %swap3A_707 = arith.constant 0 : index
        %swap3A_708 = tpu.vector_load %arg8[%swap3A_706, %swap3A_707] {strides = array<i32>} : memref<800x64xf32, #tpu.memory_space<vmem>>, vector<1x16xf32>,
        %swap3A_709 = vector.shape_cast %swap3A_708 : vector<1x16xf32> to vector<16xf32>
        %swap3A_710 = vector.shape_cast %mul3A_705 : vector<16xf32> to vector<1x16xf32>
        tpu.vector_store %arg8[%swap3A_706, %swap3A_707], %swap3A_710 {strides = array<i32>} : memref<800x64xf32, #tpu.memory_space<vmem>>, vector<1x16xf32>,
        %get3A_711 = arith.index_cast %scan3A_698 : i32 to index
        %get3A_712 = arith.constant 16 : index
        %get3A_713 = tpu.vector_load %arg8[%get3A_711, %get3A_712] {strides = array<i32>} : memref<800x64xf32, #tpu.memory_space<vmem>>, vector<1x16xf32>,
        %get3A_714 = vector.shape_cast %get3A_713 : vector<1x16xf32> to vector<16xf32>
        %mul3A_715 = arith.constant 8.000000e+00 : f32
        %mul3A_716 = vector.broadcast %mul3A_715 : f32 to vector<16xf32>
        %mul3A_717 = arith.mulf %get3A_714, %mul3A_716 : vector<16xf32>
        %swap3A_718 = arith.index_cast %scan3A_698 : i32 to index
        %swap3A_719 = arith.constant 16 : index
        %swap3A_720 = tpu.vector_load %arg8[%swap3A_718, %swap3A_719] {strides = array<i32>} : memref<800x64xf32, #tpu.memory_space<vmem>>, vector<1x16xf32>,
        %swap3A_721 = vector.shape_cast %swap3A_720 : vector<1x16xf32> to vector<16xf32>
        %swap3A_722 = vector.shape_cast %mul3A_717 : vector<16xf32> to vector<1x16xf32>
        tpu.vector_store %arg8[%swap3A_718, %swap3A_719], %swap3A_722 {strides = array<i32>} : memref<800x64xf32, #tpu.memory_space<vmem>>, vector<1x16xf32>,
        %get3A_723 = arith.index_cast %scan3A_698 : i32 to index
        %get3A_724 = arith.constant 32 : index
        %get3A_725 = tpu.vector_load %arg8[%get3A_723, %get3A_724] {strides = array<i32>} : memref<800x64xf32, #tpu.memory_space<vmem>>, vector<1x16xf32>,
        %get3A_726 = vector.shape_cast %get3A_725 : vector<1x16xf32> to vector<16xf32>
        %mul3A_727 = arith.constant 8.000000e+00 : f32
        %mul3A_728 = vector.broadcast %mul3A_727 : f32 to vector<16xf32>
        %mul3A_729 = arith.mulf %get3A_726, %mul3A_728 : vector<16xf32>
        %swap3A_730 = arith.index_cast %scan3A_698 : i32 to index
        %swap3A_731 = arith.constant 32 : index
        %swap3A_732 = tpu.vector_load %arg8[%swap3A_730, %swap3A_731] {strides = array<i32>} : memref<800x64xf32, #tpu.memory_space<vmem>>, vector<1x16xf32>,
        %swap3A_733 = vector.shape_cast %swap3A_732 : vector<1x16xf32> to vector<16xf32>
        %swap3A_734 = vector.shape_cast %mul3A_729 : vector<16xf32> to vector<1x16xf32>
        tpu.vector_store %arg8[%swap3A_730, %swap3A_731], %swap3A_734 {strides = array<i32>} : memref<800x64xf32, #tpu.memory_space<vmem>>, vector<1x16xf32>,
        %get3A_735 = arith.index_cast %scan3A_698 : i32 to index
        %get3A_736 = arith.constant 48 : index
        %get3A_737 = tpu.vector_load %arg8[%get3A_735, %get3A_736] {strides = array<i32>} : memref<800x64xf32, #tpu.memory_space<vmem>>, vector<1x16xf32>,
        %get3A_738 = vector.shape_cast %get3A_737 : vector<1x16xf32> to vector<16xf32>
        %mul3A_739 = arith.constant 8.000000e+00 : f32
        %mul3A_740 = vector.broadcast %mul3A_739 : f32 to vector<16xf32>
        %mul3A_741 = arith.mulf %get3A_738, %mul3A_740 : vector<16xf32>
        %swap3A_742 = arith.index_cast %scan3A_698 : i32 to index
        %swap3A_743 = arith.constant 48 : index
        %swap3A_744 = tpu.vector_load %arg8[%swap3A_742, %swap3A_743] {strides = array<i32>} : memref<800x64xf32, #tpu.memory_space<vmem>>, vector<1x16xf32>,
        %swap3A_745 = vector.shape_cast %swap3A_744 : vector<1x16xf32> to vector<16xf32>
        %swap3A_746 = vector.shape_cast %mul3A_741 : vector<16xf32> to vector<1x16xf32>
        tpu.vector_store %arg8[%swap3A_742, %swap3A_743], %swap3A_746 {strides = array<i32>} : memref<800x64xf32, #tpu.memory_space<vmem>>, vector<1x16xf32>,
        %scan3A_747 = arith.constant 7 : i32
        %scan3A_748 = arith.addi %scan3A_400, %scan3A_747 : i32
        %get3A_749 = arith.index_cast %scan3A_748 : i32 to index
        %get3A_750 = arith.constant 0 : index
        %get3A_751 = tpu.vector_load %arg8[%get3A_749, %get3A_750] {strides = array<i32>} : memref<800x64xf32, #tpu.memory_space<vmem>>, vector<1x16xf32>,
        %get3A_752 = vector.shape_cast %get3A_751 : vector<1x16xf32> to vector<16xf32>
        %mul3A_753 = arith.constant 8.000000e+00 : f32
        %mul3A_754 = vector.broadcast %mul3A_753 : f32 to vector<16xf32>
        %mul3A_755 = arith.mulf %get3A_752, %mul3A_754 : vector<16xf32>
        %swap3A_756 = arith.index_cast %scan3A_748 : i32 to index
        %swap3A_757 = arith.constant 0 : index
        %swap3A_758 = tpu.vector_load %arg8[%swap3A_756, %swap3A_757] {strides = array<i32>} : memref<800x64xf32, #tpu.memory_space<vmem>>, vector<1x16xf32>,
        %swap3A_759 = vector.shape_cast %swap3A_758 : vector<1x16xf32> to vector<16xf32>
        %swap3A_760 = vector.shape_cast %mul3A_755 : vector<16xf32> to vector<1x16xf32>
        tpu.vector_store %arg8[%swap3A_756, %swap3A_757], %swap3A_760 {strides = array<i32>} : memref<800x64xf32, #tpu.memory_space<vmem>>, vector<1x16xf32>,
        %get3A_761 = arith.index_cast %scan3A_748 : i32 to index
        %get3A_762 = arith.constant 16 : index
        %get3A_763 = tpu.vector_load %arg8[%get3A_761, %get3A_762] {strides = array<i32>} : memref<800x64xf32, #tpu.memory_space<vmem>>, vector<1x16xf32>,
        %get3A_764 = vector.shape_cast %get3A_763 : vector<1x16xf32> to vector<16xf32>
        %mul3A_765 = arith.constant 8.000000e+00 : f32
        %mul3A_766 = vector.broadcast %mul3A_765 : f32 to vector<16xf32>
        %mul3A_767 = arith.mulf %get3A_764, %mul3A_766 : vector<16xf32>
        %swap3A_768 = arith.index_cast %scan3A_748 : i32 to index
        %swap3A_769 = arith.constant 16 : index
        %swap3A_770 = tpu.vector_load %arg8[%swap3A_768, %swap3A_769] {strides = array<i32>} : memref<800x64xf32, #tpu.memory_space<vmem>>, vector<1x16xf32>,
        %swap3A_771 = vector.shape_cast %swap3A_770 : vector<1x16xf32> to vector<16xf32>
        %swap3A_772 = vector.shape_cast %mul3A_767 : vector<16xf32> to vector<1x16xf32>
        tpu.vector_store %arg8[%swap3A_768, %swap3A_769], %swap3A_772 {strides = array<i32>} : memref<800x64xf32, #tpu.memory_space<vmem>>, vector<1x16xf32>,
        %get3A_773 = arith.index_cast %scan3A_748 : i32 to index
        %get3A_774 = arith.constant 32 : index
        %get3A_775 = tpu.vector_load %arg8[%get3A_773, %get3A_774] {strides = array<i32>} : memref<800x64xf32, #tpu.memory_space<vmem>>, vector<1x16xf32>,
        %get3A_776 = vector.shape_cast %get3A_775 : vector<1x16xf32> to vector<16xf32>
        %mul3A_777 = arith.constant 8.000000e+00 : f32
        %mul3A_778 = vector.broadcast %mul3A_777 : f32 to vector<16xf32>
        %mul3A_779 = arith.mulf %get3A_776, %mul3A_778 : vector<16xf32>
        %swap3A_780 = arith.index_cast %scan3A_748 : i32 to index
        %swap3A_781 = arith.constant 32 : index
        %swap3A_782 = tpu.vector_load %arg8[%swap3A_780, %swap3A_781] {strides = array<i32>} : memref<800x64xf32, #tpu.memory_space<vmem>>, vector<1x16xf32>,
        %swap3A_783 = vector.shape_cast %swap3A_782 : vector<1x16xf32> to vector<16xf32>
        %swap3A_784 = vector.shape_cast %mul3A_779 : vector<16xf32> to vector<1x16xf32>
        tpu.vector_store %arg8[%swap3A_780, %swap3A_781], %swap3A_784 {strides = array<i32>} : memref<800x64xf32, #tpu.memory_space<vmem>>, vector<1x16xf32>,
        %get3A_785 = arith.index_cast %scan3A_748 : i32 to index
        %get3A_786 = arith.constant 48 : index
        %get3A_787 = tpu.vector_load %arg8[%get3A_785, %get3A_786] {strides = array<i32>} : memref<800x64xf32, #tpu.memory_space<vmem>>, vector<1x16xf32>,
        %get3A_788 = vector.shape_cast %get3A_787 : vector<1x16xf32> to vector<16xf32>
        %mul3A_789 = arith.constant 8.000000e+00 : f32
        %mul3A_790 = vector.broadcast %mul3A_789 : f32 to vector<16xf32>
        %mul3A_791 = arith.mulf %get3A_788, %mul3A_790 : vector<16xf32>
        %swap3A_792 = arith.index_cast %scan3A_748 : i32 to index
        %swap3A_793 = arith.constant 48 : index
        %swap3A_794 = tpu.vector_load %arg8[%swap3A_792, %swap3A_793] {strides = array<i32>} : memref<800x64xf32, #tpu.memory_space<vmem>>, vector<1x16xf32>,
        %swap3A_795 = vector.shape_cast %swap3A_794 : vector<1x16xf32> to vector<16xf32>
        %swap3A_796 = vector.shape_cast %mul3A_791 : vector<16xf32> to vector<1x16xf32>
        tpu.vector_store %arg8[%swap3A_792, %swap3A_793], %swap3A_796 {strides = array<i32>} : memref<800x64xf32, #tpu.memory_space<vmem>>, vector<1x16xf32>,
      }
      %scan3A_308 = arith.constant 800 : i32
      %mul3A_309 = arith.constant 800 : i32
      %mul3A_310 = arith.muli %add3A_293, %mul3A_309 : i32
      %add3A_311 = arith.addi %mul3A_2, %mul3A_310 : i32
      %jit3A_312 = arith.constant 200 : i32
      %div3A_313 = arith.divsi %add3A_311, %jit3A_312 : i32
      %sign3A_314 = arith.constant 0 : i32
      %sign3A_315 = arith.cmpi sgt, %add3A_311, %sign3A_314 : i32
      %sign3A_316 = arith.extui %sign3A_315 : i1 to i32
      %sign3A_317 = arith.constant 0 : i32
      %sign3A_318 = arith.cmpi slt, %add3A_311, %sign3A_317 : i32
      %sign3A_319 = arith.extui %sign3A_318 : i1 to i32
      %sign3A_320 = arith.subi %sign3A_316, %sign3A_319 : i32
      %sign3A_321 = arith.constant 0 : i32
      %sign3A_322 = arith.cmpi sgt, %jit3A_312, %sign3A_321 : i32
      %sign3A_323 = arith.extui %sign3A_322 : i1 to i32
      %sign3A_324 = arith.constant 0 : i32
      %sign3A_325 = arith.cmpi slt, %jit3A_312, %sign3A_324 : i32
      %sign3A_326 = arith.extui %sign3A_325 : i1 to i32
      %sign3A_327 = arith.subi %sign3A_323, %sign3A_326 : i32
      %ne3A_328 = arith.cmpi ne, %sign3A_320, %sign3A_327 : i32
      %rem3A_329 = arith.remsi %add3A_311, %jit3A_312 : i32
      %ne3A_330 = arith.constant 0 : i32
      %ne3A_331 = arith.cmpi ne, %rem3A_329, %ne3A_330 : i32
      %and3A_332 = arith.andi %ne3A_328, %ne3A_331 : i1
      %sub3A_333 = arith.constant 1 : i32
      %sub3A_334 = arith.subi %div3A_313, %sub3A_333 : i32
      %select_n3A_335 = arith.select %and3A_332, %sub3A_334, %div3A_313 : i32
      %add3A_336 = arith.constant 0 : i32
      %add3A_337 = arith.addi %select_n3A_335, %add3A_336 : i32
      %dma_start3A_338 = arith.constant 0 : i32
      %dma_start3A_339 = arith.constant 0 : i32
      %dma_start3A_340 = tpu.memref_slice %arg8[%dma_start3A_338, %dma_start3A_339] : memref<800x64xf32, #tpu.memory_space<vmem>> -> memref<200x64xf32, #tpu.memory_space<vmem>>
      %dma_start3A_341 = arith.constant 0 : i32
      %dma_start3A_342 = arith.constant 0 : i32
      %dma_start3A_343 = tpu.memref_slice %arg4[%add3A_337, %dma_start3A_341, %dma_start3A_342] : memref<16384x200x64xf32, #tpu.memory_space<hbm>> -> memref<1x200x64xf32, #tpu.memory_space<hbm>>
      %dma_start3A_344 = tpu.memref_squeeze %dma_start3A_343 : memref<1x200x64xf32, #tpu.memory_space<hbm>> -> memref<200x64xf32, #tpu.memory_space<hbm>>
      %dma_start3A_345 = arith.constant 0 : i32
      %dma_start3A_346 = arith.constant 0 : i32
      %dma_start3A_347 = tpu.memref_slice %arg4[%add3A_337, %dma_start3A_345, %dma_start3A_346] : memref<16384x200x64xf32, #tpu.memory_space<hbm>> -> memref<1x200x64xf32, #tpu.memory_space<hbm>>
      %dma_start3A_348 = tpu.memref_squeeze %dma_start3A_347 : memref<1x200x64xf32, #tpu.memory_space<hbm>> -> memref<200x64xf32, #tpu.memory_space<hbm>>
      %dma_start3A_349 = arith.constant 0 : i32
      %dma_start3A_350 = arith.constant 0 : i32
      %dma_start3A_351 = tpu.memref_slice %arg8[%dma_start3A_349, %dma_start3A_350] : memref<800x64xf32, #tpu.memory_space<vmem>> -> memref<200x64xf32, #tpu.memory_space<vmem>>
      tpu.enqueue_dma source(%dma_start3A_351 : memref<200x64xf32, #tpu.memory_space<vmem>>) target(%dma_start3A_348 : memref<200x64xf32, #tpu.memory_space<hbm>>) target_semaphore(%arg12 : memref<!tpu.dma_semaphore, #tpu.memory_space<semaphore_mem>>)
      %add3A_352 = arith.constant 1 : i32
      %add3A_353 = arith.addi %select_n3A_335, %add3A_352 : i32
      %dma_start3A_354 = arith.constant 200 : i32
      %dma_start3A_355 = arith.constant 0 : i32
      %dma_start3A_356 = tpu.memref_slice %arg8[%dma_start3A_354, %dma_start3A_355] : memref<800x64xf32, #tpu.memory_space<vmem>> -> memref<200x64xf32, #tpu.memory_space<vmem>>
      %dma_start3A_357 = arith.constant 0 : i32
      %dma_start3A_358 = arith.constant 0 : i32
      %dma_start3A_359 = tpu.memref_slice %arg4[%add3A_353, %dma_start3A_357, %dma_start3A_358] : memref<16384x200x64xf32, #tpu.memory_space<hbm>> -> memref<1x200x64xf32, #tpu.memory_space<hbm>>
      %dma_start3A_360 = tpu.memref_squeeze %dma_start3A_359 : memref<1x200x64xf32, #tpu.memory_space<hbm>> -> memref<200x64xf32, #tpu.memory_space<hbm>>
      %dma_start3A_361 = arith.constant 0 : i32
      %dma_start3A_362 = arith.constant 0 : i32
      %dma_start3A_363 = tpu.memref_slice %arg4[%add3A_353, %dma_start3A_361, %dma_start3A_362] : memref<16384x200x64xf32, #tpu.memory_space<hbm>> -> memref<1x200x64xf32, #tpu.memory_space<hbm>>
      %dma_start3A_364 = tpu.memref_squeeze %dma_start3A_363 : memref<1x200x64xf32, #tpu.memory_space<hbm>> -> memref<200x64xf32, #tpu.memory_space<hbm>>
      %dma_start3A_365 = arith.constant 200 : i32
      %dma_start3A_366 = arith.constant 0 : i32
      %dma_start3A_367 = tpu.memref_slice %arg8[%dma_start3A_365, %dma_start3A_366] : memref<800x64xf32, #tpu.memory_space<vmem>> -> memref<200x64xf32, #tpu.memory_space<vmem>>
      tpu.enqueue_dma source(%dma_start3A_367 : memref<200x64xf32, #tpu.memory_space<vmem>>) target(%dma_start3A_364 : memref<200x64xf32, #tpu.memory_space<hbm>>) target_semaphore(%arg12 : memref<!tpu.dma_semaphore, #tpu.memory_space<semaphore_mem>>)
      %add3A_368 = arith.constant 2 : i32
      %add3A_369 = arith.addi %select_n3A_335, %add3A_368 : i32
      %dma_start3A_370 = arith.constant 400 : i32
      %dma_start3A_371 = arith.constant 0 : i32
      %dma_start3A_372 = tpu.memref_slice %arg8[%dma_start3A_370, %dma_start3A_371] : memref<800x64xf32, #tpu.memory_space<vmem>> -> memref<200x64xf32, #tpu.memory_space<vmem>>
      %dma_start3A_373 = arith.constant 0 : i32
      %dma_start3A_374 = arith.constant 0 : i32
      %dma_start3A_375 = tpu.memref_slice %arg4[%add3A_369, %dma_start3A_373, %dma_start3A_374] : memref<16384x200x64xf32, #tpu.memory_space<hbm>> -> memref<1x200x64xf32, #tpu.memory_space<hbm>>
      %dma_start3A_376 = tpu.memref_squeeze %dma_start3A_375 : memref<1x200x64xf32, #tpu.memory_space<hbm>> -> memref<200x64xf32, #tpu.memory_space<hbm>>
      %dma_start3A_377 = arith.constant 0 : i32
      %dma_start3A_378 = arith.constant 0 : i32
      %dma_start3A_379 = tpu.memref_slice %arg4[%add3A_369, %dma_start3A_377, %dma_start3A_378] : memref<16384x200x64xf32, #tpu.memory_space<hbm>> -> memref<1x200x64xf32, #tpu.memory_space<hbm>>
      %dma_start3A_380 = tpu.memref_squeeze %dma_start3A_379 : memref<1x200x64xf32, #tpu.memory_space<hbm>> -> memref<200x64xf32, #tpu.memory_space<hbm>>
      %dma_start3A_381 = arith.constant 400 : i32
      %dma_start3A_382 = arith.constant 0 : i32
      %dma_start3A_383 = tpu.memref_slice %arg8[%dma_start3A_381, %dma_start3A_382] : memref<800x64xf32, #tpu.memory_space<vmem>> -> memref<200x64xf32, #tpu.memory_space<vmem>>
      tpu.enqueue_dma source(%dma_start3A_383 : memref<200x64xf32, #tpu.memory_space<vmem>>) target(%dma_start3A_380 : memref<200x64xf32, #tpu.memory_space<hbm>>) target_semaphore(%arg12 : memref<!tpu.dma_semaphore, #tpu.memory_space<semaphore_mem>>)
      %add3A_384 = arith.constant 3 : i32
      %add3A_385 = arith.addi %select_n3A_335, %add3A_384 : i32
      %dma_start3A_386 = arith.constant 600 : i32
      %dma_start3A_387 = arith.constant 0 : i32
      %dma_start3A_388 = tpu.memref_slice %arg8[%dma_start3A_386, %dma_start3A_387] : memref<800x64xf32, #tpu.memory_space<vmem>> -> memref<200x64xf32, #tpu.memory_space<vmem>>
      %dma_start3A_389 = arith.constant 0 : i32
      %dma_start3A_390 = arith.constant 0 : i32
      %dma_start3A_391 = tpu.memref_slice %arg4[%add3A_385, %dma_start3A_389, %dma_start3A_390] : memref<16384x200x64xf32, #tpu.memory_space<hbm>> -> memref<1x200x64xf32, #tpu.memory_space<hbm>>
      %dma_start3A_392 = tpu.memref_squeeze %dma_start3A_391 : memref<1x200x64xf32, #tpu.memory_space<hbm>> -> memref<200x64xf32, #tpu.memory_space<hbm>>
      %dma_start3A_393 = arith.constant 0 : i32
      %dma_start3A_394 = arith.constant 0 : i32
      %dma_start3A_395 = tpu.memref_slice %arg4[%add3A_385, %dma_start3A_393, %dma_start3A_394] : memref<16384x200x64xf32, #tpu.memory_space<hbm>> -> memref<1x200x64xf32, #tpu.memory_space<hbm>>
      %dma_start3A_396 = tpu.memref_squeeze %dma_start3A_395 : memref<1x200x64xf32, #tpu.memory_space<hbm>> -> memref<200x64xf32, #tpu.memory_space<hbm>>
      %dma_start3A_397 = arith.constant 600 : i32
      %dma_start3A_398 = arith.constant 0 : i32
      %dma_start3A_399 = tpu.memref_slice %arg8[%dma_start3A_397, %dma_start3A_398] : memref<800x64xf32, #tpu.memory_space<vmem>> -> memref<200x64xf32, #tpu.memory_space<vmem>>
      tpu.enqueue_dma source(%dma_start3A_399 : memref<200x64xf32, #tpu.memory_space<vmem>>) target(%dma_start3A_396 : memref<200x64xf32, #tpu.memory_space<hbm>>) target_semaphore(%arg12 : memref<!tpu.dma_semaphore, #tpu.memory_space<semaphore_mem>>)
    }
    %scan3A_10 = arith.constant 64 : i32
    %add3A_11 = arith.constant 100800 : i32
    %add3A_12 = arith.addi %mul3A_2, %add3A_11 : i32
    %jit3A = arith.constant 200 : i32
    %div3A = arith.divsi %add3A_12, %jit3A : i32
    %sign3A = arith.constant 0 : i32
    %sign3A_13 = arith.cmpi sgt, %add3A_12, %sign3A : i32
    %sign3A_14 = arith.extui %sign3A_13 : i1 to i32
    %sign3A_15 = arith.constant 0 : i32
    %sign3A_16 = arith.cmpi slt, %add3A_12, %sign3A_15 : i32
    %sign3A_17 = arith.extui %sign3A_16 : i1 to i32
    %sign3A_18 = arith.subi %sign3A_14, %sign3A_17 : i32
    %sign3A_19 = arith.constant 0 : i32
    %sign3A_20 = arith.cmpi sgt, %jit3A, %sign3A_19 : i32
    %sign3A_21 = arith.extui %sign3A_20 : i1 to i32
    %sign3A_22 = arith.constant 0 : i32
    %sign3A_23 = arith.cmpi slt, %jit3A, %sign3A_22 : i32
    %sign3A_24 = arith.extui %sign3A_23 : i1 to i32
    %sign3A_25 = arith.subi %sign3A_21, %sign3A_24 : i32
    %ne3A = arith.cmpi ne, %sign3A_18, %sign3A_25 : i32
    %rem3A = arith.remsi %add3A_12, %jit3A : i32
    %ne3A_26 = arith.constant 0 : i32
    %ne3A_27 = arith.cmpi ne, %rem3A, %ne3A_26 : i32
    %and3A = arith.andi %ne3A, %ne3A_27 : i1
    %sub3A = arith.constant 1 : i32
    %sub3A_28 = arith.subi %div3A, %sub3A : i32
    %select_n3A = arith.select %and3A, %sub3A_28, %div3A : i32
    %add3A_29 = arith.constant 0 : i32
    %add3A_30 = arith.addi %select_n3A, %add3A_29 : i32
    %dma_wait3A = arith.constant 0 : i32
    %dma_wait3A_31 = arith.constant 0 : i32
    %dma_wait3A_32 = tpu.memref_slice %arg7[%dma_wait3A, %dma_wait3A_31] : memref<800x64xf32, #tpu.memory_space<vmem>> -> memref<200x64xf32, #tpu.memory_space<vmem>>
    %dma_wait3A_33 = arith.constant 0 : i32
    %dma_wait3A_34 = arith.constant 0 : i32
    %dma_wait3A_35 = tpu.memref_slice %arg4[%add3A_30, %dma_wait3A_33, %dma_wait3A_34] : memref<16384x200x64xf32, #tpu.memory_space<hbm>> -> memref<1x200x64xf32, #tpu.memory_space<hbm>>
    %dma_wait3A_36 = tpu.memref_squeeze %dma_wait3A_35 : memref<1x200x64xf32, #tpu.memory_space<hbm>> -> memref<200x64xf32, #tpu.memory_space<hbm>>
    %dma_wait3A_37 = arith.constant 0 : i32
    %dma_wait3A_38 = arith.constant 0 : i32
    %dma_wait3A_39 = tpu.memref_slice %arg4[%add3A_30, %dma_wait3A_37, %dma_wait3A_38] : memref<16384x200x64xf32, #tpu.memory_space<hbm>> -> memref<1x200x64xf32, #tpu.memory_space<hbm>>
    %dma_wait3A_40 = tpu.memref_squeeze %dma_wait3A_39 : memref<1x200x64xf32, #tpu.memory_space<hbm>> -> memref<200x64xf32, #tpu.memory_space<hbm>>
    %dma_wait3A_41 = arith.constant 0 : i32
    %dma_wait3A_42 = arith.constant 0 : i32
    %dma_wait3A_43 = tpu.memref_slice %arg7[%dma_wait3A_41, %dma_wait3A_42] : memref<800x64xf32, #tpu.memory_space<vmem>> -> memref<200x64xf32, #tpu.memory_space<vmem>>
    tpu.wait_dma2 semaphore(%arg11 : memref<!tpu.dma_semaphore, #tpu.memory_space<semaphore_mem>>) src(%dma_wait3A_43 : memref<200x64xf32, #tpu.memory_space<vmem>>) dst(%dma_wait3A_40 : memref<200x64xf32, #tpu.memory_space<hbm>>)
    %add3A_44 = arith.constant 1 : i32
    %add3A_45 = arith.addi %select_n3A, %add3A_44 : i32
    %dma_wait3A_46 = arith.constant 200 : i32
    %dma_wait3A_47 = arith.constant 0 : i32
    %dma_wait3A_48 = tpu.memref_slice %arg7[%dma_wait3A_46, %dma_wait3A_47] : memref<800x64xf32, #tpu.memory_space<vmem>> -> memref<200x64xf32, #tpu.memory_space<vmem>>
    %dma_wait3A_49 = arith.constant 0 : i32
    %dma_wait3A_50 = arith.constant 0 : i32
    %dma_wait3A_51 = tpu.memref_slice %arg4[%add3A_45, %dma_wait3A_49, %dma_wait3A_50] : memref<16384x200x64xf32, #tpu.memory_space<hbm>> -> memref<1x200x64xf32, #tpu.memory_space<hbm>>
    %dma_wait3A_52 = tpu.memref_squeeze %dma_wait3A_51 : memref<1x200x64xf32, #tpu.memory_space<hbm>> -> memref<200x64xf32, #tpu.memory_space<hbm>>
    %dma_wait3A_53 = arith.constant 0 : i32
    %dma_wait3A_54 = arith.constant 0 : i32
    %dma_wait3A_55 = tpu.memref_slice %arg4[%add3A_45, %dma_wait3A_53, %dma_wait3A_54] : memref<16384x200x64xf32, #tpu.memory_space<hbm>> -> memref<1x200x64xf32, #tpu.memory_space<hbm>>
    %dma_wait3A_56 = tpu.memref_squeeze %dma_wait3A_55 : memref<1x200x64xf32, #tpu.memory_space<hbm>> -> memref<200x64xf32, #tpu.memory_space<hbm>>
    %dma_wait3A_57 = arith.constant 200 : i32
    %dma_wait3A_58 = arith.constant 0 : i32
    %dma_wait3A_59 = tpu.memref_slice %arg7[%dma_wait3A_57, %dma_wait3A_58] : memref<800x64xf32, #tpu.memory_space<vmem>> -> memref<200x64xf32, #tpu.memory_space<vmem>>
    tpu.wait_dma2 semaphore(%arg11 : memref<!tpu.dma_semaphore, #tpu.memory_space<semaphore_mem>>) src(%dma_wait3A_59 : memref<200x64xf32, #tpu.memory_space<vmem>>) dst(%dma_wait3A_56 : memref<200x64xf32, #tpu.memory_space<hbm>>)
    %add3A_60 = arith.constant 2 : i32
    %add3A_61 = arith.addi %select_n3A, %add3A_60 : i32
    %dma_wait3A_62 = arith.constant 400 : i32
    %dma_wait3A_63 = arith.constant 0 : i32
    %dma_wait3A_64 = tpu.memref_slice %arg7[%dma_wait3A_62, %dma_wait3A_63] : memref<800x64xf32, #tpu.memory_space<vmem>> -> memref<200x64xf32, #tpu.memory_space<vmem>>
    %dma_wait3A_65 = arith.constant 0 : i32
    %dma_wait3A_66 = arith.constant 0 : i32
    %dma_wait3A_67 = tpu.memref_slice %arg4[%add3A_61, %dma_wait3A_65, %dma_wait3A_66] : memref<16384x200x64xf32, #tpu.memory_space<hbm>> -> memref<1x200x64xf32, #tpu.memory_space<hbm>>
    %dma_wait3A_68 = tpu.memref_squeeze %dma_wait3A_67 : memref<1x200x64xf32, #tpu.memory_space<hbm>> -> memref<200x64xf32, #tpu.memory_space<hbm>>
    %dma_wait3A_69 = arith.constant 0 : i32
    %dma_wait3A_70 = arith.constant 0 : i32
    %dma_wait3A_71 = tpu.memref_slice %arg4[%add3A_61, %dma_wait3A_69, %dma_wait3A_70] : memref<16384x200x64xf32, #tpu.memory_space<hbm>> -> memref<1x200x64xf32, #tpu.memory_space<hbm>>
    %dma_wait3A_72 = tpu.memref_squeeze %dma_wait3A_71 : memref<1x200x64xf32, #tpu.memory_space<hbm>> -> memref<200x64xf32, #tpu.memory_space<hbm>>
    %dma_wait3A_73 = arith.constant 400 : i32
    %dma_wait3A_74 = arith.constant 0 : i32
    %dma_wait3A_75 = tpu.memref_slice %arg7[%dma_wait3A_73, %dma_wait3A_74] : memref<800x64xf32, #tpu.memory_space<vmem>> -> memref<200x64xf32, #tpu.memory_space<vmem>>
    tpu.wait_dma2 semaphore(%arg11 : memref<!tpu.dma_semaphore, #tpu.memory_space<semaphore_mem>>) src(%dma_wait3A_75 : memref<200x64xf32, #tpu.memory_space<vmem>>) dst(%dma_wait3A_72 : memref<200x64xf32, #tpu.memory_space<hbm>>)
    %add3A_76 = arith.constant 3 : i32
    %add3A_77 = arith.addi %select_n3A, %add3A_76 : i32
    %dma_wait3A_78 = arith.constant 600 : i32
    %dma_wait3A_79 = arith.constant 0 : i32
    %dma_wait3A_80 = tpu.memref_slice %arg7[%dma_wait3A_78, %dma_wait3A_79] : memref<800x64xf32, #tpu.memory_space<vmem>> -> memref<200x64xf32, #tpu.memory_space<vmem>>
    %dma_wait3A_81 = arith.constant 0 : i32
    %dma_wait3A_82 = arith.constant 0 : i32
    %dma_wait3A_83 = tpu.memref_slice %arg4[%add3A_77, %dma_wait3A_81, %dma_wait3A_82] : memref<16384x200x64xf32, #tpu.memory_space<hbm>> -> memref<1x200x64xf32, #tpu.memory_space<hbm>>
    %dma_wait3A_84 = tpu.memref_squeeze %dma_wait3A_83 : memref<1x200x64xf32, #tpu.memory_space<hbm>> -> memref<200x64xf32, #tpu.memory_space<hbm>>
    %dma_wait3A_85 = arith.constant 0 : i32
    %dma_wait3A_86 = arith.constant 0 : i32
    %dma_wait3A_87 = tpu.memref_slice %arg4[%add3A_77, %dma_wait3A_85, %dma_wait3A_86] : memref<16384x200x64xf32, #tpu.memory_space<hbm>> -> memref<1x200x64xf32, #tpu.memory_space<hbm>>
    %dma_wait3A_88 = tpu.memref_squeeze %dma_wait3A_87 : memref<1x200x64xf32, #tpu.memory_space<hbm>> -> memref<200x64xf32, #tpu.memory_space<hbm>>
    %dma_wait3A_89 = arith.constant 600 : i32
    %dma_wait3A_90 = arith.constant 0 : i32
    %dma_wait3A_91 = tpu.memref_slice %arg7[%dma_wait3A_89, %dma_wait3A_90] : memref<800x64xf32, #tpu.memory_space<vmem>> -> memref<200x64xf32, #tpu.memory_space<vmem>>
    tpu.wait_dma2 semaphore(%arg11 : memref<!tpu.dma_semaphore, #tpu.memory_space<semaphore_mem>>) src(%dma_wait3A_91 : memref<200x64xf32, #tpu.memory_space<vmem>>) dst(%dma_wait3A_88 : memref<200x64xf32, #tpu.memory_space<hbm>>)
    %add3A_92 = arith.constant 101600 : i32
    %add3A_93 = arith.addi %mul3A_2, %add3A_92 : i32
    %jit3A_94 = arith.constant 200 : i32
    %div3A_95 = arith.divsi %add3A_93, %jit3A_94 : i32
    %sign3A_96 = arith.constant 0 : i32
    %sign3A_97 = arith.cmpi sgt, %add3A_93, %sign3A_96 : i32
    %sign3A_98 = arith.extui %sign3A_97 : i1 to i32
    %sign3A_99 = arith.constant 0 : i32
    %sign3A_100 = arith.cmpi slt, %add3A_93, %sign3A_99 : i32
    %sign3A_101 = arith.extui %sign3A_100 : i1 to i32
    %sign3A_102 = arith.subi %sign3A_98, %sign3A_101 : i32
    %sign3A_103 = arith.constant 0 : i32
    %sign3A_104 = arith.cmpi sgt, %jit3A_94, %sign3A_103 : i32
    %sign3A_105 = arith.extui %sign3A_104 : i1 to i32
    %sign3A_106 = arith.constant 0 : i32
    %sign3A_107 = arith.cmpi slt, %jit3A_94, %sign3A_106 : i32
    %sign3A_108 = arith.extui %sign3A_107 : i1 to i32
    %sign3A_109 = arith.subi %sign3A_105, %sign3A_108 : i32
    %ne3A_110 = arith.cmpi ne, %sign3A_102, %sign3A_109 : i32
    %rem3A_111 = arith.remsi %add3A_93, %jit3A_94 : i32
    %ne3A_112 = arith.constant 0 : i32
    %ne3A_113 = arith.cmpi ne, %rem3A_111, %ne3A_112 : i32
    %and3A_114 = arith.andi %ne3A_110, %ne3A_113 : i1
    %sub3A_115 = arith.constant 1 : i32
    %sub3A_116 = arith.subi %div3A_95, %sub3A_115 : i32
    %select_n3A_117 = arith.select %and3A_114, %sub3A_116, %div3A_95 : i32
    %add3A_118 = arith.constant 0 : i32
    %add3A_119 = arith.addi %select_n3A_117, %add3A_118 : i32
    %dma_wait3A_120 = arith.constant 0 : i32
    %dma_wait3A_121 = arith.constant 0 : i32
    %dma_wait3A_122 = tpu.memref_slice %arg8[%dma_wait3A_120, %dma_wait3A_121] : memref<800x64xf32, #tpu.memory_space<vmem>> -> memref<200x64xf32, #tpu.memory_space<vmem>>
    %dma_wait3A_123 = arith.constant 0 : i32
    %dma_wait3A_124 = arith.constant 0 : i32
    %dma_wait3A_125 = tpu.memref_slice %arg4[%add3A_119, %dma_wait3A_123, %dma_wait3A_124] : memref<16384x200x64xf32, #tpu.memory_space<hbm>> -> memref<1x200x64xf32, #tpu.memory_space<hbm>>
    %dma_wait3A_126 = tpu.memref_squeeze %dma_wait3A_125 : memref<1x200x64xf32, #tpu.memory_space<hbm>> -> memref<200x64xf32, #tpu.memory_space<hbm>>
    %dma_wait3A_127 = arith.constant 0 : i32
    %dma_wait3A_128 = arith.constant 0 : i32
    %dma_wait3A_129 = tpu.memref_slice %arg4[%add3A_119, %dma_wait3A_127, %dma_wait3A_128] : memref<16384x200x64xf32, #tpu.memory_space<hbm>> -> memref<1x200x64xf32, #tpu.memory_space<hbm>>
    %dma_wait3A_130 = tpu.memref_squeeze %dma_wait3A_129 : memref<1x200x64xf32, #tpu.memory_space<hbm>> -> memref<200x64xf32, #tpu.memory_space<hbm>>
    %dma_wait3A_131 = arith.constant 0 : i32
    %dma_wait3A_132 = arith.constant 0 : i32
    %dma_wait3A_133 = tpu.memref_slice %arg8[%dma_wait3A_131, %dma_wait3A_132] : memref<800x64xf32, #tpu.memory_space<vmem>> -> memref<200x64xf32, #tpu.memory_space<vmem>>
    tpu.wait_dma2 semaphore(%arg12 : memref<!tpu.dma_semaphore, #tpu.memory_space<semaphore_mem>>) src(%dma_wait3A_133 : memref<200x64xf32, #tpu.memory_space<vmem>>) dst(%dma_wait3A_130 : memref<200x64xf32, #tpu.memory_space<hbm>>)
    %add3A_134 = arith.constant 1 : i32
    %add3A_135 = arith.addi %select_n3A_117, %add3A_134 : i32
    %dma_wait3A_136 = arith.constant 200 : i32
    %dma_wait3A_137 = arith.constant 0 : i32
    %dma_wait3A_138 = tpu.memref_slice %arg8[%dma_wait3A_136, %dma_wait3A_137] : memref<800x64xf32, #tpu.memory_space<vmem>> -> memref<200x64xf32, #tpu.memory_space<vmem>>
    %dma_wait3A_139 = arith.constant 0 : i32
    %dma_wait3A_140 = arith.constant 0 : i32
    %dma_wait3A_141 = tpu.memref_slice %arg4[%add3A_135, %dma_wait3A_139, %dma_wait3A_140] : memref<16384x200x64xf32, #tpu.memory_space<hbm>> -> memref<1x200x64xf32, #tpu.memory_space<hbm>>
    %dma_wait3A_142 = tpu.memref_squeeze %dma_wait3A_141 : memref<1x200x64xf32, #tpu.memory_space<hbm>> -> memref<200x64xf32, #tpu.memory_space<hbm>>
    %dma_wait3A_143 = arith.constant 0 : i32
    %dma_wait3A_144 = arith.constant 0 : i32
    %dma_wait3A_145 = tpu.memref_slice %arg4[%add3A_135, %dma_wait3A_143, %dma_wait3A_144] : memref<16384x200x64xf32, #tpu.memory_space<hbm>> -> memref<1x200x64xf32, #tpu.memory_space<hbm>>
    %dma_wait3A_146 = tpu.memref_squeeze %dma_wait3A_145 : memref<1x200x64xf32, #tpu.memory_space<hbm>> -> memref<200x64xf32, #tpu.memory_space<hbm>>
    %dma_wait3A_147 = arith.constant 200 : i32
    %dma_wait3A_148 = arith.constant 0 : i32
    %dma_wait3A_149 = tpu.memref_slice %arg8[%dma_wait3A_147, %dma_wait3A_148] : memref<800x64xf32, #tpu.memory_space<vmem>> -> memref<200x64xf32, #tpu.memory_space<vmem>>
    tpu.wait_dma2 semaphore(%arg12 : memref<!tpu.dma_semaphore, #tpu.memory_space<semaphore_mem>>) src(%dma_wait3A_149 : memref<200x64xf32, #tpu.memory_space<vmem>>) dst(%dma_wait3A_146 : memref<200x64xf32, #tpu.memory_space<hbm>>)
    %add3A_150 = arith.constant 2 : i32
    %add3A_151 = arith.addi %select_n3A_117, %add3A_150 : i32
    %dma_wait3A_152 = arith.constant 400 : i32
    %dma_wait3A_153 = arith.constant 0 : i32
    %dma_wait3A_154 = tpu.memref_slice %arg8[%dma_wait3A_152, %dma_wait3A_153] : memref<800x64xf32, #tpu.memory_space<vmem>> -> memref<200x64xf32, #tpu.memory_space<vmem>>
    %dma_wait3A_155 = arith.constant 0 : i32
    %dma_wait3A_156 = arith.constant 0 : i32
    %dma_wait3A_157 = tpu.memref_slice %arg4[%add3A_151, %dma_wait3A_155, %dma_wait3A_156] : memref<16384x200x64xf32, #tpu.memory_space<hbm>> -> memref<1x200x64xf32, #tpu.memory_space<hbm>>
    %dma_wait3A_158 = tpu.memref_squeeze %dma_wait3A_157 : memref<1x200x64xf32, #tpu.memory_space<hbm>> -> memref<200x64xf32, #tpu.memory_space<hbm>>
    %dma_wait3A_159 = arith.constant 0 : i32
    %dma_wait3A_160 = arith.constant 0 : i32
    %dma_wait3A_161 = tpu.memref_slice %arg4[%add3A_151, %dma_wait3A_159, %dma_wait3A_160] : memref<16384x200x64xf32, #tpu.memory_space<hbm>> -> memref<1x200x64xf32, #tpu.memory_space<hbm>>
    %dma_wait3A_162 = tpu.memref_squeeze %dma_wait3A_161 : memref<1x200x64xf32, #tpu.memory_space<hbm>> -> memref<200x64xf32, #tpu.memory_space<hbm>>
    %dma_wait3A_163 = arith.constant 400 : i32
    %dma_wait3A_164 = arith.constant 0 : i32
    %dma_wait3A_165 = tpu.memref_slice %arg8[%dma_wait3A_163, %dma_wait3A_164] : memref<800x64xf32, #tpu.memory_space<vmem>> -> memref<200x64xf32, #tpu.memory_space<vmem>>
    tpu.wait_dma2 semaphore(%arg12 : memref<!tpu.dma_semaphore, #tpu.memory_space<semaphore_mem>>) src(%dma_wait3A_165 : memref<200x64xf32, #tpu.memory_space<vmem>>) dst(%dma_wait3A_162 : memref<200x64xf32, #tpu.memory_space<hbm>>)
    %add3A_166 = arith.constant 3 : i32
    %add3A_167 = arith.addi %select_n3A_117, %add3A_166 : i32
    %dma_wait3A_168 = arith.constant 600 : i32
    %dma_wait3A_169 = arith.constant 0 : i32
    %dma_wait3A_170 = tpu.memref_slice %arg8[%dma_wait3A_168, %dma_wait3A_169] : memref<800x64xf32, #tpu.memory_space<vmem>> -> memref<200x64xf32, #tpu.memory_space<vmem>>
    %dma_wait3A_171 = arith.constant 0 : i32
    %dma_wait3A_172 = arith.constant 0 : i32
    %dma_wait3A_173 = tpu.memref_slice %arg4[%add3A_167, %dma_wait3A_171, %dma_wait3A_172] : memref<16384x200x64xf32, #tpu.memory_space<hbm>> -> memref<1x200x64xf32, #tpu.memory_space<hbm>>
    %dma_wait3A_174 = tpu.memref_squeeze %dma_wait3A_173 : memref<1x200x64xf32, #tpu.memory_space<hbm>> -> memref<200x64xf32, #tpu.memory_space<hbm>>
    %dma_wait3A_175 = arith.constant 0 : i32
    %dma_wait3A_176 = arith.constant 0 : i32
    %dma_wait3A_177 = tpu.memref_slice %arg4[%add3A_167, %dma_wait3A_175, %dma_wait3A_176] : memref<16384x200x64xf32, #tpu.memory_space<hbm>> -> memref<1x200x64xf32, #tpu.memory_space<hbm>>
    %dma_wait3A_178 = tpu.memref_squeeze %dma_wait3A_177 : memref<1x200x64xf32, #tpu.memory_space<hbm>> -> memref<200x64xf32, #tpu.memory_space<hbm>>
    %dma_wait3A_179 = arith.constant 600 : i32
    %dma_wait3A_180 = arith.constant 0 : i32
    %dma_wait3A_181 = tpu.memref_slice %arg8[%dma_wait3A_179, %dma_wait3A_180] : memref<800x64xf32, #tpu.memory_space<vmem>> -> memref<200x64xf32, #tpu.memory_space<vmem>>
    tpu.wait_dma2 semaphore(%arg12 : memref<!tpu.dma_semaphore, #tpu.memory_space<semaphore_mem>>) src(%dma_wait3A_181 : memref<200x64xf32, #tpu.memory_space<vmem>>) dst(%dma_wait3A_178 : memref<200x64xf32, #tpu.memory_space<hbm>>)
    return
  }
}

</mosaic_0001>

<sc_bundles>
// kernel: kernel.3.cloned.1.call-start
scs
__scs_entry_jumppad:
0x0: {  	(pc) =	sbr.rel $0x88, $3  }
0x1: {  	(tag) =	ssettag $0x0;
	lr =	simm.s32 $0x1  }
0x2: {  	[smem:$0x3F9F] =	sst lr;
	_ =	strace $0xD0000000  }
0x3: {  	_ = 	snop  }
0x4: {  	_ = 	snop  }
0x5: {  	_ = 	snop  }
0x6: {  	_ = 	snop  }
0x7: {  	_ = 	snop  }
__scs_overlays_trampoline_lowered:
0x8: {  	[smem:$0x3FAE] =	sst s0  }
0x9: {  	[smem:$0x3FAF] =	sst s1  }
0xa: {  	[smem:$0x3FB0] =	sst s2  }
0xb: {  	[smem:$0x3FB1] =	sst s3  }
0xc: {  	[smem:$0x3FB2] =	sst s4  }
0xd: {  	[smem:$0x3FB3] =	sst s5  }
0xe: {  	[smem:$0x3FB4] =	sst s6  }
0xf: {  	[smem:$0x3FB5] =	sst s7  }
0x10: {  	[smem:$0x3FB6] =	sst s8  }
0x11: {  	[smem:$0x3FB7] =	sst s9;
	s0 =	simm.s32 @!p0 $0x0  }
0x12: {  	s1 =	sld [smem:$0x3F9D];
	s0 =	simm.s32 @p0 $0x1  }
0x13: {  	[smem:$0x3FB8] =	sst s0;
	s0 =	simm.s32 @!p1 $0x0  }
0x14: {  	s2 =	sld [smem:$0x3F9C];
	s0 =	simm.s32 @p1 $0x1  }
0x15: {  	[smem:$0x3FB9] =	sst s0;
	s0 =	simm.s32 @!p2 $0x0  }
0x16: {  	s3 =	sld [smem:$0x3FDB];
	s0 =	simm.s32 @p2 $0x1  }
0x17: {  	s4 =	simm.s32 $0x1BF5;
	[smem:$0x3FBB] =	sst s0  }
0x18: {  	s0 =	sld [smem:$0x3F9E];
	_ =	swait.ge [sflag:s4], $0x0  }
0x19: {  	s7 =	sld [smem:$0x3F9F]  }
0x1a: {  	s8 =	sadd.s32 $0xFFFFE003, lr  }
0x1b: {  	s9 =	sadd.s32 $0xFFFFFEF7, lr;
	s5 =	simm.s32 $0xFFFFFFFF;
	p2 =	slt.u32 s8, $0xFFFFF086  }
0x1c: {  	p1 =	slt.u32 s9, $0xF7A;
	s5 =	simm.s32 @!p2 $0x0  }
0x1d: {  	s5 =	simm.s32 @p1 $0x1;
	p0 =	seq.s32 s7, s2  }
0x1e: {  	s7 =	smul.u32 @!p0 $0xF7A, s2;
	p2 =	seq.s32 @!p0 s5, $0x0  }
0x1f: {  	s9 =	smul.u32 $0xF7A, s1;
	s8 =	simm.s32 @!p0 $0x1BF5;
	p2 =	por !p2, p0  }
0x20: {  	[sflag:s8] =	ssyncset.s32 @!p0 $0xFFFFF086;
	s6 =	sadd.s32 @!p0 s3, s7;
	s7 =	simm.s32 @!p0 $0x108  }
0x21: {  	s3 =	sadd.s32 s3, s9;
	s6 =	sadd.s32 @!p0 $0x88, s6;
	s7 =	simm.s32 @p2 $0x1082  }
0x22: {  	[simem:s7], [sflag:s8] =	dma.local @!p0 [hbm:s6], $0xF7A  }
0x23: {  	s9 =	sor.u32 $0xD0000000, s2;
	s6 =	simm.s32 $0x108;
	_ =	swait.ge @!p0 [sflag:s8], $0x0  }
0x24: {  	s3 =	sadd.s32 $0x88, s3;
	s6 =	simm.s32 @!p1 $0x1082;
	[sflag:s4] =	ssyncset.s32 $0xFFFFF086  }
0x25: {  	[simem:s6], [sflag:s4] =	dma.local [hbm:s3], $0xF7A  }
0x26: {  	[smem:$0x3F9F] =	sst s1;
	(tag) =	ssettag s2;
	_ =	strace s9  }
0x27: {  	s1 =	sld [smem:$0x3FAF]  }
0x28: {  	s2 =	sld [smem:$0x3FB0]  }
0x29: {  	s4 =	sld [smem:$0x3FB2]  }
0x2a: {  	p0 =	seq.s32 s5, $0x0;
	s5 =	sld [smem:$0x3FB3]  }
0x2b: {  	s6 =	sld [smem:$0x3FB4]  }
0x2c: {  	s7 =	sld [smem:$0x3FB5]  }
0x2d: {  	s3 =	simm.s32 $0x108;
	s8 =	sld [smem:$0x3FB6]  }
0x2e: {  	s3 =	simm.s32 @!p0 $0x1082;
	s9 =	sld [smem:$0x3FB7]  }
0x2f: {  	lr =	sadd.s32 s0, s3;
	s0 =	sld [smem:$0x3FAE]  }
0x30: {  	s3 =	sld [smem:$0x3FB1]  }
0x31: {  	[smem:$0x3FBA] =	sst s10  }
0x32: {  	s10 =	sld [smem:$0x3FB8];
	_ =	sdelay $0x3  }
0x33: {  	p0 =	seq.s32 s10, $0x1;
	s10 =	sld [smem:$0x3FBA];
	_ =	sdelay $0x3  }
0x34: {  	[smem:$0x3FBA] =	sst s10  }
0x35: {  	s10 =	sld [smem:$0x3FB9];
	_ =	sdelay $0x3  }
0x36: {  	p1 =	seq.s32 s10, $0x1;
	s10 =	sld [smem:$0x3FBA];
	_ =	sdelay $0x3  }
0x37: {  	[smem:$0x3FBA] =	sst s10  }
0x38: {  	s10 =	sld [smem:$0x3FBB]  }
0x39: {  	_ = 	snop;
	(pc) =	sbr.ind lr, $3  }
0x3a: {  	_ = 	snop  }
0x3b: {  	_ = 	snop  }
0x3c: {  	p2 =	seq.s32 s10, $0x1;
	s10 =	sld [smem:$0x3FBA]  }
0x3d: {  	_ =	shalt  }
0x3e: {  	_ =	shalt  }
0x3f: {  	_ =	shalt  }
0x40: {  	_ =	shalt  }
0x41: {  	_ =	shalt  }
0x42: {  	_ =	shalt  }
0x43: {  	_ =	shalt  }
0x44: {  	_ =	shalt  }
0x45: {  	_ =	shalt  }
0x46: {  	_ =	shalt  }
0x47: {  	_ =	shalt  }
0x48: {  	_ =	shalt  }
0x49: {  	_ =	shalt  }
0x4a: {  	_ =	shalt  }
0x4b: {  	_ =	shalt  }
0x4c: {  	_ =	shalt  }
0x4d: {  	_ =	shalt  }
0x4e: {  	_ =	shalt  }
0x4f: {  	_ =	shalt  }
0x50: {  	_ =	shalt  }
0x51: {  	_ =	shalt  }
0x52: {  	_ =	shalt  }
0x53: {  	_ =	shalt  }
0x54: {  	_ =	shalt  }
0x55: {  	_ =	shalt  }
0x56: {  	_ =	shalt  }
0x57: {  	_ =	shalt  }
0x58: {  	_ =	shalt  }
0x59: {  	_ =	shalt  }
0x5a: {  	_ =	shalt  }
0x5b: {  	_ =	shalt  }
0x5c: {  	_ =	shalt  }
0x5d: {  	_ =	shalt  }
0x5e: {  	_ =	shalt  }
0x5f: {  	_ =	shalt  }
0x60: {  	_ =	shalt  }
0x61: {  	_ =	shalt  }
0x62: {  	_ =	shalt  }
0x63: {  	_ =	shalt  }
0x64: {  	_ =	shalt  }
0x65: {  	_ =	shalt  }
0x66: {  	_ =	shalt  }
0x67: {  	_ =	shalt  }
0x68: {  	_ =	shalt  }
0x69: {  	_ =	shalt  }
0x6a: {  	_ =	shalt  }
0x6b: {  	_ =	shalt  }
0x6c: {  	_ =	shalt  }
0x6d: {  	_ =	shalt  }
0x6e: {  	_ =	shalt  }
0x6f: {  	_ =	shalt  }
0x70: {  	_ =	shalt  }
0x71: {  	_ =	shalt  }
0x72: {  	_ =	shalt  }
0x73: {  	_ =	shalt  }
0x74: {  	_ =	shalt  }
0x75: {  	_ =	shalt  }
0x76: {  	_ =	shalt  }
0x77: {  	_ =	shalt  }
0x78: {  	_ =	shalt  }
0x79: {  	_ =	shalt  }
0x7a: {  	_ =	shalt  }
0x7b: {  	_ =	shalt  }
0x7c: {  	_ =	shalt  }
0x7d: {  	_ =	shalt  }
0x7e: {  	_ =	shalt  }
0x7f: {  	_ =	shalt  }
0x80: {  	_ =	shalt  }
0x81: {  	_ =	shalt  }
0x82: {  	_ =	shalt  }
0x83: {  	_ =	shalt  }
0x84: {  	_ =	shalt  }
0x85: {  	_ =	shalt  }
0x86: {  	_ =	shalt  }
0x87: {  	_ =	shalt  }
.Lfunc_end0:
.L_simem_size_0:
called_computation.1_lowered:
.L_overlay_start_0:
0x88: {  	s2 =	sld [smem:$0x3FD9]  }
0x89: {  	s3 =	sld [smem:$0x3FFE];
	_ =	sdelay $0x1  }
0x8a: {  	s1 =	srdreg.scid  }
0x8b: {  	s0 =	sand.u32 $0x1, s1  }
0x8c: {  	s17 =	sshll.u32 s0, $0xA;
	s2 =	sadd.s32 s3, s2  }
0x8d: {  	s2 =	sadd.s32 s2, s17  }
0x8e: {  	[smem:$0x3FC6] =	sst s2  }
0x8f: {  	_ = 	snop  }
0x90: {  	s2 =	sld [smem:$0x3FD0];
	(tm) =	ssettm $0x1  }
0x91: {  	s18 =	sld [smem:$0x3FFB];
	_ =	sdelay $0x3  }
0x92: {  	_ =	strace s18  }
0x93: {  	s3 =	sld [smem:$0x3FFC];
	_ =	sdelay $0x3  }
0x94: {  	_ =	strace s3  }
0x95: {  	s3 =	sld [smem:$0x3FFD];
	_ =	sdelay $0x3  }
0x96: {  	_ =	strace s3  }
0x97: {  	_ =	strace $0x8FFFFFFF  }
0x98: {  	s19 =	sld [smem:$0x3FDB];
	_ =	sdelay $0x1  }
0x99: {  	s4 =	simm.s32 $_scs_section_size  }
0x9a: {  	s5 =	simm.s32 $_size__tile_overlayer_lowered;
	s6 =	simm.s32 $_tile_overlayer_lowered  }
0x9b: {  	s22 =	simm.s32 $0x1BFF;
	s21 =	sshll.u32 s6, $0x1;
	s3 =	sadd.s32 s4, s19  }
0x9c: {  	s7 =	simm.s32 $0x0;
	s20 =	sshll.u32 s5, $0x1;
	s5 =	sadd.s32 s21, s3  }
0x9d: {  	[timem:s7], [sflag:s22] =	dma.local [hbm:s5], s20  }
0x9e: {  	_ =	swait.ge [sflag:s22], s20  }
0x9f: {  	s4 =	ssub.s32 $0x0, s20;
	[sflag:s22] =	ssyncset.done $0x0  }
0xa0: {  	[sflag:s22] =	ssyncadd.s32 s4;
	_ =	sdelay $0x1  }
0xa1: {  	s23 =	simm.s32 $0x1B8B  }
0xa2: {  	_ =	swait.ge [sflag:s23], $0x1  }
0xa3: {  	[sflag:s23] =	ssyncset.done $0x0  }
0xa4: {  	s25 =	simm.s32 $0x1B8E;
	s24 =	sld [smem:$0x3FFE];
	[sflag:s23] =	ssyncadd.s32 $0xFFFFFFFF  }
0xa5: {  	s26 =	simm.s32 $execute0_lowered;
	[smem:$0x3FD2] =	sst s25  }
0xa6: {  	s5 =	sshll.u32 s26, $0x1;
	_ =	strace $0x80000046;
	[dreg:$0x1] =	wrdreg $0xFFFFFFFF  }
0xa7: {  	s28 =	simm.s32 $_size_execute0_lowered;
	s3 =	sadd.s32 s3, s5;
	[dreg:$0x0] =	wrdreg $0x0  }
0xa8: {  	s5 =	sshll.u32 s28, $0x1;
	[dreg:$0x2] =	wrdreg s3  }
0xa9: {  	[dreg:$0x3] =	wrdreg s5  }
0xaa: {  	[dreg:$0x4] =	wrdreg $0xC0  }
0xab: {  	_ =	task [dreg:s7], $0x5FFFF  }
0xac: {  	[dreg:$0x1] =	wrdreg $0xFFFFFFFF  }
0xad: {  	[dreg:$0x0] =	wrdreg $0x60  }
0xae: {  	[dreg:$0x2] =	wrdreg s24  }
0xaf: {  	[dreg:$0x3] =	wrdreg s2  }
0xb0: {  	[dreg:$0x4] =	wrdreg $0x9  }
0xb1: {  	_ =	task.clear_ibuf [dreg:s7], $0x5FFFF;
	_ =	strace $0x90000046  }
0xb2: {  	s29 =	simm.s32 $0x9;
	_ =	strace $0x80000048  }
0xb3: {  	_ =	swait.ge [sflag:s29], $0x1  }
0xb4: {  	[sflag:s29] =	ssyncadd.s32 $0xFFFFFFFF  }
0xb5: {  	_ =	strace $0x90000048  }
0xb6: {  	_ =	sfence  }
0xb7: {  	s30 =	sld [smem:$0x0];
	_ =	sdelay $0x2  }
0xb8: {  	s31 =	sshll.u32 s1, $0xD;
	s1 =	sshrl.u32 s1, $0x2  }
0xb9: {  	s3 =	sand.u32 $0x4000, s31;
	s1 =	sadd.s32 s1, s30  }
0xba: {  	s0 =	sor.u32 s3, s0;
	s1 =	sshll.u32 s1, $0x11  }
0xbb: {  	s0 =	sor.u32 s1, s0  }
0xbc: {  	s0 =	sadd.s32 $0x8F2B, s0  }
0xbd: {  	[sflag:s0] =	ssyncadd.remote.s32 $0x1  }
0xbe: {  	_ =	sfence.sel $0xFFFF  }
0xbf: {  	[dreg:$0x0] =	wrdreg $0xFFFFFFFF;
	(pc) =	sbr.abs _section_cstart, $3  }
0xc0: {  	[dreg:$0x1] =	wrdreg $0xFFFFFFFF  }
0xc1: {  	_ =	task.clear_ibuf [dreg:s7], $0x2FFFF;
	_ =	strace $0x9FFFFFFF  }
0xc2: {  	(tm) =	ssettm $0x7FFFFFFF  }
0xc3: {  	_ =	shalt  }
tec
execute0_lowered:
.L_overlay_start_1:
0x0: {  	(tag) =	ssettag $0x1  }
0x1: {  	s1 =	rddreg [dreg:$0x0]  }
0x2: {  	s3 =	srdreg.scid;
	s0 =	stileid.u32  }
0x3: {  	s2 =	rddreg [dreg:$0x1];
	s11 =	simm.s32 $0x5;
	s12 =	simm.s32 $0x320  }
0x4: {  	s13 =	simm.s32 $0x640;
	s14 =	simm.s32 $0xCE40;
	s15 =	simm.s32 $0x1  }
0x5: {  	s16 =	simm.s32 $0x3840;
	s17 =	simm.s32 $0x6A40;
	s18 =	simm.s32 $0x9C40  }
0x6: {  	s19 =	simm.s32 $0x2;
	s20 =	simm.s32 $0x10040;
	s21 =	simm.s32 $0x13240  }
0x7: {  	s22 =	simm.s32 $0x16440;
	s23 =	simm.s32 $0x3;
	s24 =	simm.s32 $0x4  }
0x8: {  	s25 =	simm.s32 $0x0;
	s5 =	sand.u32 $0x1, s3;
	s4 =	sshll.u32 s0, $0x1  }
0x9: {  	s3 =	simm.s32 $0x0;
	s6 =	sadd.s32 $0x64800, s1;
	s4 =	sor.u32 s5, s4  }
0xa: {  	[smem:$0x7FF] =	sst s3;
	s7 =	ssub.s32 $0x2, s5;
	s4 =	smul.u32 $0x19000, s4  }
0xb: {  	s5 =	sadd.s32 $0x800, s1;
	_ =	strace $0x80000047;
	s8 =	sshrl.u32 s7, $0x1  }
0xc: {  	s31 =	ssub.s32 s7, s8;
	s9 =	sshrl.u32 s4, $0x3;
	s8 =	sor.u32 $0x320, s4  }
0xd: {  	s10 =	smax.u32 s31, $0x1;
	s7 =	sadd.s32 s5, s9;
	s9 =	sor.u32 $0x640, s4  }
.LBB2_1:
0xe: {  	[tilespmem:s3], [sflag:$0x5] =	stream.linear.gather [hbm4b:s7+s3], $0x320, $0x38;
	[tilespmem:$0x19640] =	vst v63  }
0xf: {  	_ =	swait.ge [sflag:s11], $0x320  }
0x10: {  	[sflag:s11] =	ssyncset.done $0x0  }
0x11: {  	s26 =	simm.s32 $0x0;
	[sflag:s11] =	ssyncadd.s32 $0xFFFFFCE0  }
0x12: {  	[tilespmem:s13], [sflag:$0x1] =	stream.indirect.gather [hbm4b:s6+s12], $0x40, s3, s12, $0xb8;
	[tilespmem:$0x19640] =	vst v63  }
.LBB2_2:
0x13: {  	p0 =	seq.s32 s26, $0x0  }
0x14: {  	s1 =	simm.s32 @!p0 $0x4  }
0x15: {  	_ =	swait.ge @!p0 [sflag:s1], $0x3200  }
0x16: {  	[sflag:s1] =	ssyncset.done @!p0 $0x0  }
0x17: {  	[sflag:s1] =	ssyncadd.s32 @!p0 $0xFFFFCE00  }
0x18: {  	_ =	swait.ge @!p0 [sflag:s1], $0x3200  }
0x19: {  	[sflag:s1] =	ssyncset.done @!p0 $0x0  }
0x1a: {  	[sflag:s1] =	ssyncadd.s32 @!p0 $0xFFFFCE00  }
0x1b: {  	_ =	swait.ge @!p0 [sflag:s1], $0x3200  }
0x1c: {  	s29 =	smul.u32 $0x640, s26;
	[sflag:s1] =	ssyncset.done @!p0 $0x0  }
0x1d: {  	[sflag:s1] =	ssyncadd.s32 @!p0 $0xFFFFCE00  }
0x1e: {  	s28 =	sadd.s32 s29, s8;
	_ =	swait.ge @!p0 [sflag:s1], $0x3200  }
0x1f: {  	s30 =	sshrl.u32 s28, $0x3;
	[sflag:s1] =	ssyncset.done @!p0 $0x0  }
0x20: {  	[sflag:s1] =	ssyncadd.s32 @!p0 $0xFFFFCE00;
	s1 =	sadd.s32 s5, s30  }
0x21: {  	[tilespmem:s12], [sflag:$0x5] =	stream.linear.gather [hbm4b:s1+s3], $0x320, $0x38;
	[tilespmem:$0x19640] =	vst v63  }
0x22: {  	_ =	swait.ge [sflag:s11], $0x320  }
0x23: {  	[sflag:s11] =	ssyncset.done $0x0  }
0x24: {  	[sflag:s11] =	ssyncadd.s32 $0xFFFFFCE0  }
0x25: {  	[tilespmem:s14], [sflag:$0x2] =	stream.indirect.gather [hbm4b:s6+s12], $0x40, s12, s12, $0xb8;
	[tilespmem:$0x19640] =	vst v63  }
0x26: {  	_ =	swait.ge [sflag:s15], $0xC800  }
0x27: {  	[sflag:s15] =	ssyncset.done $0x0  }
0x28: {  	s30 =	simm.s32 $0x740;
	[sflag:s15] =	ssyncadd.s32 $0xFFFF3800  }
0x29: {  	v0 =	vld [tilespmem:s30+$0xFFFFFF00]  }
0x2a: {  	v1 =	vld [tilespmem:s30+$0xFFFFFF10]  }
0x2b: {  	v2 =	vld [tilespmem:s30+$0xFFFFFF20]  }
0x2c: {  	v3 =	vld [tilespmem:s30+$0xFFFFFF30]  }
0x2d: {  	v4 =	vld [tilespmem:s30+$0xFFFFFF40]  }
0x2e: {  	v5 =	vld [tilespmem:s30+$0xFFFFFF50];
	v0 =	vmul.f32 $8.000000000e+00, v0  }
0x2f: {  	v6 =	vld [tilespmem:s30+$0xFFFFFF60];
	v1 =	vmul.f32 $8.000000000e+00, v1  }
0x30: {  	[tilespmem:s30+$0xFFFFFF00] =	vst v0;
	v0 =	vmul.f32 $8.000000000e+00, v2;
	v2 =	vld [tilespmem:s30+$0xFFFFFF70]  }
0x31: {  	[tilespmem:s30+$0xFFFFFF10] =	vst v1;
	v1 =	vmul.f32 $8.000000000e+00, v3;
	v3 =	vld [tilespmem:s30+$0xFFFFFF80]  }
0x32: {  	[tilespmem:s30+$0xFFFFFF20] =	vst v0;
	v0 =	vmul.f32 $8.000000000e+00, v4;
	v4 =	vld [tilespmem:s30+$0xFFFFFF90]  }
0x33: {  	[tilespmem:s30+$0xFFFFFF30] =	vst v1;
	v1 =	vmul.f32 $8.000000000e+00, v5;
	v5 =	vld [tilespmem:s30+$0xFFFFFFA0]  }
0x34: {  	[tilespmem:s30+$0xFFFFFF40] =	vst v0;
	v0 =	vmul.f32 $8.000000000e+00, v6;
	v6 =	vld [tilespmem:s30+$0xFFFFFFB0]  }
0x35: {  	[tilespmem:s30+$0xFFFFFF50] =	vst v1;
	v1 =	vmul.f32 $8.000000000e+00, v2;
	v2 =	vld [tilespmem:s30+$0xFFFFFFC0]  }
0x36: {  	[tilespmem:s30+$0xFFFFFF60] =	vst v0;
	v0 =	vmul.f32 $8.000000000e+00, v3;
	v3 =	vld [tilespmem:s30+$0xFFFFFFD0]  }
0x37: {  	[tilespmem:s30+$0xFFFFFF70] =	vst v1;
	v1 =	vmul.f32 $8.000000000e+00, v4;
	v4 =	vld [tilespmem:s30+$0xFFFFFFE0]  }
0x38: {  	[tilespmem:s30+$0xFFFFFF80] =	vst v0;
	v0 =	vmul.f32 $8.000000000e+00, v5;
	v5 =	vld [tilespmem:s30+$0x0]  }
0x39: {  	[tilespmem:s30+$0xFFFFFF90] =	vst v1;
	v1 =	vmul.f32 $8.000000000e+00, v6;
	v6 =	vld [tilespmem:s30+$0x10]  }
0x3a: {  	[tilespmem:s30+$0xFFFFFFA0] =	vst v0;
	v0 =	vmul.f32 $8.000000000e+00, v2;
	v2 =	vld [tilespmem:s30+$0x20]  }
0x3b: {  	[tilespmem:s30+$0xFFFFFFB0] =	vst v1;
	v1 =	vmul.f32 $8.000000000e+00, v3;
	v3 =	vld [tilespmem:s30+$0x30]  }
0x3c: {  	[tilespmem:s30+$0xFFFFFFC0] =	vst v0;
	v0 =	vmul.f32 $8.000000000e+00, v4;
	v4 =	vld [tilespmem:s30+$0x40]  }
0x3d: {  	[tilespmem:s30+$0xFFFFFFD0] =	vst v1;
	v1 =	vmul.f32 $8.000000000e+00, v5;
	v5 =	vld [tilespmem:s30+$0x50]  }
0x3e: {  	[tilespmem:s30+$0xFFFFFFE0] =	vst v0;
	v0 =	vmul.f32 $8.000000000e+00, v6;
	v6 =	vld [tilespmem:s30+$0x60]  }
0x3f: {  	[tilespmem:s30+$0x0] =	vst v1;
	v1 =	vmul.f32 $8.000000000e+00, v2;
	v2 =	vld [tilespmem:s30+$0x70]  }
0x40: {  	[tilespmem:s30+$0x10] =	vst v0;
	v0 =	vmul.f32 $8.000000000e+00, v3;
	v3 =	vld [tilespmem:s30+$0x80]  }
0x41: {  	[tilespmem:s30+$0x20] =	vst v1;
	v1 =	vmul.f32 $8.000000000e+00, v4;
	v4 =	vld [tilespmem:s30+$0x90]  }
0x42: {  	[tilespmem:s30+$0x30] =	vst v0;
	v0 =	vmul.f32 $8.000000000e+00, v5;
	v5 =	vld [tilespmem:s30+$0xA0]  }
0x43: {  	[tilespmem:s30+$0x40] =	vst v1;
	v1 =	vmul.f32 $8.000000000e+00, v6;
	v6 =	vld [tilespmem:s30+$0xB0]  }
0x44: {  	[tilespmem:s30+$0x50] =	vst v0;
	v2 =	vmul.f32 $8.000000000e+00, v2;
	v0 =	vld [tilespmem:s30+$0xC0]  }
0x45: {  	[tilespmem:s30+$0x60] =	vst v1;
	v3 =	vmul.f32 $8.000000000e+00, v3;
	v1 =	vld [tilespmem:s30+$0xD0]  }
0x46: {  	[tilespmem:s30+$0x70] =	vst v2;
	v7 =	vmul.f32 $8.000000000e+00, v4;
	v2 =	vld [tilespmem:s30+$0xE0]  }
0x47: {  	[tilespmem:s30+$0x80] =	vst v3;
	v3 =	vld [tilespmem:s30+$0xF0];
	v5 =	vmul.f32 $8.000000000e+00, v5  }
0x48: {  	s31 =	simm.s32 $0x0;
	s1 =	simm.s32 $0x940;
	v4 =	vld [tilespmem:s30+$0xFFFFFFF0];
	[tilespmem:s30+$0x90] =	vst v7;
	v6 =	vmul.f32 $8.000000000e+00, v6  }
.LBB2_3:
0x49: {  	v7 =	vld [tilespmem:s1+$0xFFFFFF00];
	[tilespmem:s30+$0xA0] =	vst v5;
	v0 =	vmul.f32 $8.000000000e+00, v0  }
0x4a: {  	v5 =	vld [tilespmem:s1+$0xFFFFFF10];
	[tilespmem:s30+$0xB0] =	vst v6;
	v1 =	vmul.f32 $8.000000000e+00, v1  }
0x4b: {  	v6 =	vld [tilespmem:s1+$0xFFFFFF20];
	[tilespmem:s30+$0xC0] =	vst v0;
	v0 =	vmul.f32 $8.000000000e+00, v2  }
0x4c: {  	v2 =	vld [tilespmem:s1+$0xFFFFFF30];
	[tilespmem:s30+$0xD0] =	vst v1;
	v1 =	vmul.f32 $8.000000000e+00, v3  }
0x4d: {  	v3 =	vld [tilespmem:s1+$0xFFFFFF40];
	v4 =	vmul.f32 $8.000000000e+00, v4;
	[tilespmem:s30+$0xE0] =	vst v0  }
0x4e: {  	v0 =	vmul.f32 $8.000000000e+00, v7;
	v7 =	vld [tilespmem:s1+$0xFFFFFF50];
	[tilespmem:s30+$0xF0] =	vst v1  }
0x4f: {  	v1 =	vmul.f32 $8.000000000e+00, v5;
	v5 =	vld [tilespmem:s1+$0xFFFFFF60];
	[tilespmem:s30+$0xFFFFFFF0] =	vst v4;
	s30 =	smov.u32 s1  }
0x50: {  	[tilespmem:s1+$0xFFFFFF00] =	vst v0;
	v0 =	vmul.f32 $8.000000000e+00, v6;
	v4 =	vld [tilespmem:s1+$0xFFFFFF70]  }
0x51: {  	[tilespmem:s1+$0xFFFFFF10] =	vst v1;
	v1 =	vmul.f32 $8.000000000e+00, v2;
	v2 =	vld [tilespmem:s1+$0xFFFFFF80]  }
0x52: {  	[tilespmem:s1+$0xFFFFFF20] =	vst v0;
	v0 =	vmul.f32 $8.000000000e+00, v3;
	v3 =	vld [tilespmem:s1+$0xFFFFFF90]  }
0x53: {  	[tilespmem:s1+$0xFFFFFF30] =	vst v1;
	v1 =	vmul.f32 $8.000000000e+00, v7;
	v6 =	vld [tilespmem:s1+$0xFFFFFFA0]  }
0x54: {  	[tilespmem:s1+$0xFFFFFF40] =	vst v0;
	v0 =	vmul.f32 $8.000000000e+00, v5;
	v5 =	vld [tilespmem:s1+$0xFFFFFFB0]  }
0x55: {  	[tilespmem:s1+$0xFFFFFF50] =	vst v1;
	v1 =	vmul.f32 $8.000000000e+00, v4;
	v4 =	vld [tilespmem:s1+$0xFFFFFFC0]  }
0x56: {  	[tilespmem:s1+$0xFFFFFF60] =	vst v0;
	v0 =	vmul.f32 $8.000000000e+00, v2;
	v2 =	vld [tilespmem:s1+$0xFFFFFFD0]  }
0x57: {  	[tilespmem:s1+$0xFFFFFF70] =	vst v1;
	v1 =	vmul.f32 $8.000000000e+00, v3;
	v3 =	vld [tilespmem:s1+$0xFFFFFFE0]  }
0x58: {  	[tilespmem:s1+$0xFFFFFF80] =	vst v0;
	v0 =	vmul.f32 $8.000000000e+00, v6;
	v6 =	vld [tilespmem:s1+$0x0]  }
0x59: {  	[tilespmem:s1+$0xFFFFFF90] =	vst v1;
	v1 =	vmul.f32 $8.000000000e+00, v5;
	v5 =	vld [tilespmem:s1+$0x10]  }
0x5a: {  	[tilespmem:s1+$0xFFFFFFA0] =	vst v0;
	v0 =	vmul.f32 $8.000000000e+00, v4;
	v4 =	vld [tilespmem:s1+$0x20]  }
0x5b: {  	[tilespmem:s1+$0xFFFFFFB0] =	vst v1;
	v1 =	vmul.f32 $8.000000000e+00, v2;
	v2 =	vld [tilespmem:s1+$0x30]  }
0x5c: {  	[tilespmem:s1+$0xFFFFFFC0] =	vst v0;
	v0 =	vmul.f32 $8.000000000e+00, v3;
	v3 =	vld [tilespmem:s1+$0x40]  }
0x5d: {  	[tilespmem:s1+$0xFFFFFFD0] =	vst v1;
	v1 =	vmul.f32 $8.000000000e+00, v6;
	v6 =	vld [tilespmem:s1+$0x50]  }
0x5e: {  	[tilespmem:s1+$0xFFFFFFE0] =	vst v0;
	v0 =	vmul.f32 $8.000000000e+00, v5;
	v5 =	vld [tilespmem:s1+$0x60]  }
0x5f: {  	[tilespmem:s1+$0x0] =	vst v1;
	v1 =	vmul.f32 $8.000000000e+00, v4;
	v4 =	vld [tilespmem:s1+$0x70]  }
0x60: {  	[tilespmem:s1+$0x10] =	vst v0;
	v0 =	vmul.f32 $8.000000000e+00, v2;
	v2 =	vld [tilespmem:s1+$0x80]  }
0x61: {  	[tilespmem:s1+$0x20] =	vst v1;
	v1 =	vmul.f32 $8.000000000e+00, v3;
	v3 =	vld [tilespmem:s1+$0x90]  }
0x62: {  	s31 =	sadd.s32 $0x8, s31;
	[tilespmem:s1+$0x30] =	vst v0;
	v0 =	vmul.f32 $8.000000000e+00, v6;
	v6 =	vld [tilespmem:s1+$0xA0]  }
0x63: {  	p0 =	slt.u32 s31, $0x318;
	[tilespmem:s1+$0x40] =	vst v1;
	v1 =	vmul.f32 $8.000000000e+00, v5;
	v7 =	vld [tilespmem:s1+$0xB0]  }
.Ltmp0:
0x64: {  	[tilespmem:s1+$0x50] =	vst v0;
	v4 =	vmul.f32 $8.000000000e+00, v4;
	v0 =	vld [tilespmem:s1+$0xC0];
	(pc) =	sbr.rel @p0 .LBB2_3-.Ltmp0, $4  }
0x65: {  	[tilespmem:s1+$0x60] =	vst v1;
	v5 =	vmul.f32 $8.000000000e+00, v2;
	v1 =	vld [tilespmem:s1+$0xD0]  }
0x66: {  	[tilespmem:s1+$0x70] =	vst v4;
	v8 =	vmul.f32 $8.000000000e+00, v3;
	v2 =	vld [tilespmem:s1+$0xE0]  }
0x67: {  	[tilespmem:s1+$0x80] =	vst v5;
	v5 =	vmul.f32 $8.000000000e+00, v6;
	v3 =	vld [tilespmem:s1+$0xF0]  }
0x68: {  	s1 =	sadd.s32 $0x200, s1;
	v4 =	vld [tilespmem:s30+$0xFFFFFFF0];
	[tilespmem:s30+$0x90] =	vst v8;
	v6 =	vmul.f32 $8.000000000e+00, v7  }
0x69: {  	s1 =	sadd.s32 s4, s29  }
0x6a: {  	[tilespmem:s30+$0xA0] =	vst v5;
	v0 =	vmul.f32 $8.000000000e+00, v0;
	s1 =	smulhi.u32 $0x51EB851F, s1  }
0x6b: {  	[tilespmem:s30+$0xB0] =	vst v6;
	v1 =	vmul.f32 $8.000000000e+00, v1  }
0x6c: {  	[tilespmem:s30+$0xC0] =	vst v0;
	v0 =	vmul.f32 $8.000000000e+00, v2;
	s1 =	sshrl.u32 s1, $0x6  }
0x6d: {  	[tilespmem:s30+$0xD0] =	vst v1;
	v1 =	vmul.f32 $8.000000000e+00, v3;
	s31 =	smul.u32 $0x640, s1  }
0x6e: {  	v2 =	vmul.f32 $8.000000000e+00, v4;
	[tilespmem:s30+$0xE0] =	vst v0;
	s1 =	smul.u32 $0x3200, s1  }
0x6f: {  	[tilespmem:s30+$0xF0] =	vst v1  }
0x70: {  	[tilespmem:s30+$0xFFFFFFF0] =	vst v2;
	s30 =	sadd.s32 s2, s31;
	s1 =	sshrl.u32 s1, $0x3  }
0x71: {  	[hbm4b:s30+s3] =	stream.linear.scatter [tilespmem:s13], [sflag:$0x3], $0x3200, $0x38;
	[tilespmem:$0x19640] =	vst v63  }
0x72: {  	s1 =	sadd.s32 s2, s1  }
0x73: {  	s30 =	sadd.s32 $0x640, s1  }
0x74: {  	[hbm4b:s30+s3] =	stream.linear.scatter [tilespmem:s16], [sflag:$0x3], $0x3200, $0x38;
	[tilespmem:$0x19640] =	vst v63  }
0x75: {  	s30 =	sadd.s32 $0xC80, s1  }
0x76: {  	[hbm4b:s30+s3] =	stream.linear.scatter [tilespmem:s17], [sflag:$0x3], $0x3200, $0x38;
	[tilespmem:$0x19640] =	vst v63  }
0x77: {  	p0 =	seq.s32 s26, $0x3F;
	s1 =	sadd.s32 $0x12C0, s1  }
0x78: {  	[hbm4b:s1+s3] =	stream.linear.scatter [tilespmem:s18], [sflag:$0x3], $0x3200, $0x38;
	[tilespmem:$0x19640] =	vst v63  }
0x79: {  	s1 =	simm.s32 @!p0 $0x3  }
0x7a: {  	_ =	swait.ge @!p0 [sflag:s1], $0x3200  }
0x7b: {  	[sflag:s1] =	ssyncset.done @!p0 $0x0  }
0x7c: {  	[sflag:s1] =	ssyncadd.s32 @!p0 $0xFFFFCE00  }
0x7d: {  	_ =	swait.ge @!p0 [sflag:s1], $0x3200  }
0x7e: {  	[sflag:s1] =	ssyncset.done @!p0 $0x0  }
0x7f: {  	[sflag:s1] =	ssyncadd.s32 @!p0 $0xFFFFCE00  }
0x80: {  	_ =	swait.ge @!p0 [sflag:s1], $0x3200  }
0x81: {  	[sflag:s1] =	ssyncset.done @!p0 $0x0  }
0x82: {  	[sflag:s1] =	ssyncadd.s32 @!p0 $0xFFFFCE00  }
0x83: {  	s29 =	sadd.s32 @!p0 s29, s9;
	_ =	swait.ge @!p0 [sflag:s1], $0x3200  }
0x84: {  	s29 =	sshrl.u32 @!p0 s29, $0x3;
	[sflag:s1] =	ssyncset.done @!p0 $0x0  }
0x85: {  	[sflag:s1] =	ssyncadd.s32 @!p0 $0xFFFFCE00;
	s1 =	sadd.s32 @!p0 s5, s29;
	s29 =	simm.s32 @!p0 $0x0  }
0x86: {  	[tilespmem:s29], [sflag:$0x5] =	stream.linear.gather @!p0 [hbm4b:s1+s29], $0x320, $0x38;
	[tilespmem:$0x19640] =	vst v63  }
0x87: {  	s1 =	simm.s32 @!p0 $0x5  }
0x88: {  	_ =	swait.ge @!p0 [sflag:s1], $0x320  }
0x89: {  	[sflag:s1] =	ssyncset.done @!p0 $0x0  }
0x8a: {  	s30 =	simm.s32 @!p0 $0x640;
	[sflag:s1] =	ssyncadd.s32 @!p0 $0xFFFFFCE0;
	s1 =	simm.s32 @!p0 $0x320  }
0x8b: {  	[tilespmem:s30], [sflag:$0x1] =	stream.indirect.gather @!p0 [hbm4b:s6+s1], $0x40, s29, s1, $0xb8;
	[tilespmem:$0x19640] =	vst v63  }
0x8c: {  	_ =	swait.ge [sflag:s19], $0xC800  }
0x8d: {  	[sflag:s19] =	ssyncset.done $0x0  }
0x8e: {  	s29 =	simm.s32 $0xCF40;
	[sflag:s19] =	ssyncadd.s32 $0xFFFF3800  }
0x8f: {  	v0 =	vld [tilespmem:s29+$0xFFFFFF00]  }
0x90: {  	v1 =	vld [tilespmem:s29+$0xFFFFFF10]  }
0x91: {  	v2 =	vld [tilespmem:s29+$0xFFFFFF20]  }
0x92: {  	v3 =	vld [tilespmem:s29+$0xFFFFFF30]  }
0x93: {  	v4 =	vld [tilespmem:s29+$0xFFFFFF40]  }
0x94: {  	v5 =	vld [tilespmem:s29+$0xFFFFFF50];
	v0 =	vmul.f32 $8.000000000e+00, v0  }
0x95: {  	v6 =	vld [tilespmem:s29+$0xFFFFFF60];
	v1 =	vmul.f32 $8.000000000e+00, v1  }
0x96: {  	[tilespmem:s29+$0xFFFFFF00] =	vst v0;
	v0 =	vmul.f32 $8.000000000e+00, v2;
	v2 =	vld [tilespmem:s29+$0xFFFFFF70]  }
0x97: {  	[tilespmem:s29+$0xFFFFFF10] =	vst v1;
	v1 =	vmul.f32 $8.000000000e+00, v3;
	v3 =	vld [tilespmem:s29+$0xFFFFFF80]  }
0x98: {  	[tilespmem:s29+$0xFFFFFF20] =	vst v0;
	v0 =	vmul.f32 $8.000000000e+00, v4;
	v4 =	vld [tilespmem:s29+$0xFFFFFF90]  }
0x99: {  	[tilespmem:s29+$0xFFFFFF30] =	vst v1;
	v1 =	vmul.f32 $8.000000000e+00, v5;
	v5 =	vld [tilespmem:s29+$0xFFFFFFA0]  }
0x9a: {  	[tilespmem:s29+$0xFFFFFF40] =	vst v0;
	v0 =	vmul.f32 $8.000000000e+00, v6;
	v6 =	vld [tilespmem:s29+$0xFFFFFFB0]  }
0x9b: {  	[tilespmem:s29+$0xFFFFFF50] =	vst v1;
	v1 =	vmul.f32 $8.000000000e+00, v2;
	v2 =	vld [tilespmem:s29+$0xFFFFFFC0]  }
0x9c: {  	[tilespmem:s29+$0xFFFFFF60] =	vst v0;
	v0 =	vmul.f32 $8.000000000e+00, v3;
	v3 =	vld [tilespmem:s29+$0xFFFFFFD0]  }
0x9d: {  	[tilespmem:s29+$0xFFFFFF70] =	vst v1;
	v1 =	vmul.f32 $8.000000000e+00, v4;
	v4 =	vld [tilespmem:s29+$0xFFFFFFE0]  }
0x9e: {  	[tilespmem:s29+$0xFFFFFF80] =	vst v0;
	v0 =	vmul.f32 $8.000000000e+00, v5;
	v5 =	vld [tilespmem:s29+$0x0]  }
0x9f: {  	[tilespmem:s29+$0xFFFFFF90] =	vst v1;
	v1 =	vmul.f32 $8.000000000e+00, v6;
	v6 =	vld [tilespmem:s29+$0x10]  }
0xa0: {  	[tilespmem:s29+$0xFFFFFFA0] =	vst v0;
	v0 =	vmul.f32 $8.000000000e+00, v2;
	v2 =	vld [tilespmem:s29+$0x20]  }
0xa1: {  	[tilespmem:s29+$0xFFFFFFB0] =	vst v1;
	v1 =	vmul.f32 $8.000000000e+00, v3;
	v3 =	vld [tilespmem:s29+$0x30]  }
0xa2: {  	[tilespmem:s29+$0xFFFFFFC0] =	vst v0;
	v0 =	vmul.f32 $8.000000000e+00, v4;
	v4 =	vld [tilespmem:s29+$0x40]  }
0xa3: {  	[tilespmem:s29+$0xFFFFFFD0] =	vst v1;
	v1 =	vmul.f32 $8.000000000e+00, v5;
	v5 =	vld [tilespmem:s29+$0x50]  }
0xa4: {  	[tilespmem:s29+$0xFFFFFFE0] =	vst v0;
	v0 =	vmul.f32 $8.000000000e+00, v6;
	v6 =	vld [tilespmem:s29+$0x60]  }
0xa5: {  	[tilespmem:s29+$0x0] =	vst v1;
	v1 =	vmul.f32 $8.000000000e+00, v2;
	v2 =	vld [tilespmem:s29+$0x70]  }
0xa6: {  	[tilespmem:s29+$0x10] =	vst v0;
	v0 =	vmul.f32 $8.000000000e+00, v3;
	v3 =	vld [tilespmem:s29+$0x80]  }
0xa7: {  	[tilespmem:s29+$0x20] =	vst v1;
	v1 =	vmul.f32 $8.000000000e+00, v4;
	v4 =	vld [tilespmem:s29+$0x90]  }
0xa8: {  	[tilespmem:s29+$0x30] =	vst v0;
	v0 =	vmul.f32 $8.000000000e+00, v5;
	v5 =	vld [tilespmem:s29+$0xA0]  }
0xa9: {  	[tilespmem:s29+$0x40] =	vst v1;
	v1 =	vmul.f32 $8.000000000e+00, v6;
	v6 =	vld [tilespmem:s29+$0xB0]  }
0xaa: {  	[tilespmem:s29+$0x50] =	vst v0;
	v2 =	vmul.f32 $8.000000000e+00, v2;
	v0 =	vld [tilespmem:s29+$0xC0]  }
0xab: {  	[tilespmem:s29+$0x60] =	vst v1;
	v3 =	vmul.f32 $8.000000000e+00, v3;
	v1 =	vld [tilespmem:s29+$0xD0]  }
0xac: {  	[tilespmem:s29+$0x70] =	vst v2;
	v7 =	vmul.f32 $8.000000000e+00, v4;
	v2 =	vld [tilespmem:s29+$0xE0]  }
0xad: {  	[tilespmem:s29+$0x80] =	vst v3;
	v3 =	vld [tilespmem:s29+$0xF0];
	v5 =	vmul.f32 $8.000000000e+00, v5  }
0xae: {  	s30 =	simm.s32 $0x0;
	s1 =	simm.s32 $0xD140;
	v4 =	vld [tilespmem:s29+$0xFFFFFFF0];
	[tilespmem:s29+$0x90] =	vst v7;
	v6 =	vmul.f32 $8.000000000e+00, v6  }
.LBB2_5:
0xaf: {  	v7 =	vld [tilespmem:s1+$0xFFFFFF00];
	[tilespmem:s29+$0xA0] =	vst v5;
	v0 =	vmul.f32 $8.000000000e+00, v0  }
0xb0: {  	v5 =	vld [tilespmem:s1+$0xFFFFFF10];
	[tilespmem:s29+$0xB0] =	vst v6;
	v1 =	vmul.f32 $8.000000000e+00, v1  }
0xb1: {  	v6 =	vld [tilespmem:s1+$0xFFFFFF20];
	[tilespmem:s29+$0xC0] =	vst v0;
	v0 =	vmul.f32 $8.000000000e+00, v2  }
0xb2: {  	v2 =	vld [tilespmem:s1+$0xFFFFFF30];
	[tilespmem:s29+$0xD0] =	vst v1;
	v1 =	vmul.f32 $8.000000000e+00, v3  }
0xb3: {  	v3 =	vld [tilespmem:s1+$0xFFFFFF40];
	v4 =	vmul.f32 $8.000000000e+00, v4;
	[tilespmem:s29+$0xE0] =	vst v0  }
0xb4: {  	v0 =	vmul.f32 $8.000000000e+00, v7;
	v7 =	vld [tilespmem:s1+$0xFFFFFF50];
	[tilespmem:s29+$0xF0] =	vst v1  }
0xb5: {  	v1 =	vmul.f32 $8.000000000e+00, v5;
	v5 =	vld [tilespmem:s1+$0xFFFFFF60];
	[tilespmem:s29+$0xFFFFFFF0] =	vst v4;
	s29 =	smov.u32 s1  }
0xb6: {  	[tilespmem:s1+$0xFFFFFF00] =	vst v0;
	v0 =	vmul.f32 $8.000000000e+00, v6;
	v4 =	vld [tilespmem:s1+$0xFFFFFF70]  }
0xb7: {  	[tilespmem:s1+$0xFFFFFF10] =	vst v1;
	v1 =	vmul.f32 $8.000000000e+00, v2;
	v2 =	vld [tilespmem:s1+$0xFFFFFF80]  }
0xb8: {  	[tilespmem:s1+$0xFFFFFF20] =	vst v0;
	v0 =	vmul.f32 $8.000000000e+00, v3;
	v3 =	vld [tilespmem:s1+$0xFFFFFF90]  }
0xb9: {  	[tilespmem:s1+$0xFFFFFF30] =	vst v1;
	v1 =	vmul.f32 $8.000000000e+00, v7;
	v6 =	vld [tilespmem:s1+$0xFFFFFFA0]  }
0xba: {  	[tilespmem:s1+$0xFFFFFF40] =	vst v0;
	v0 =	vmul.f32 $8.000000000e+00, v5;
	v5 =	vld [tilespmem:s1+$0xFFFFFFB0]  }
0xbb: {  	[tilespmem:s1+$0xFFFFFF50] =	vst v1;
	v1 =	vmul.f32 $8.000000000e+00, v4;
	v4 =	vld [tilespmem:s1+$0xFFFFFFC0]  }
0xbc: {  	[tilespmem:s1+$0xFFFFFF60] =	vst v0;
	v0 =	vmul.f32 $8.000000000e+00, v2;
	v2 =	vld [tilespmem:s1+$0xFFFFFFD0]  }
0xbd: {  	[tilespmem:s1+$0xFFFFFF70] =	vst v1;
	v1 =	vmul.f32 $8.000000000e+00, v3;
	v3 =	vld [tilespmem:s1+$0xFFFFFFE0]  }
0xbe: {  	[tilespmem:s1+$0xFFFFFF80] =	vst v0;
	v0 =	vmul.f32 $8.000000000e+00, v6;
	v6 =	vld [tilespmem:s1+$0x0]  }
0xbf: {  	[tilespmem:s1+$0xFFFFFF90] =	vst v1;
	v1 =	vmul.f32 $8.000000000e+00, v5;
	v5 =	vld [tilespmem:s1+$0x10]  }
0xc0: {  	[tilespmem:s1+$0xFFFFFFA0] =	vst v0;
	v0 =	vmul.f32 $8.000000000e+00, v4;
	v4 =	vld [tilespmem:s1+$0x20]  }
0xc1: {  	[tilespmem:s1+$0xFFFFFFB0] =	vst v1;
	v1 =	vmul.f32 $8.000000000e+00, v2;
	v2 =	vld [tilespmem:s1+$0x30]  }
0xc2: {  	[tilespmem:s1+$0xFFFFFFC0] =	vst v0;
	v0 =	vmul.f32 $8.000000000e+00, v3;
	v3 =	vld [tilespmem:s1+$0x40]  }
0xc3: {  	[tilespmem:s1+$0xFFFFFFD0] =	vst v1;
	v1 =	vmul.f32 $8.000000000e+00, v6;
	v6 =	vld [tilespmem:s1+$0x50]  }
0xc4: {  	[tilespmem:s1+$0xFFFFFFE0] =	vst v0;
	v0 =	vmul.f32 $8.000000000e+00, v5;
	v5 =	vld [tilespmem:s1+$0x60]  }
0xc5: {  	[tilespmem:s1+$0x0] =	vst v1;
	v1 =	vmul.f32 $8.000000000e+00, v4;
	v4 =	vld [tilespmem:s1+$0x70]  }
0xc6: {  	[tilespmem:s1+$0x10] =	vst v0;
	v0 =	vmul.f32 $8.000000000e+00, v2;
	v2 =	vld [tilespmem:s1+$0x80]  }
0xc7: {  	[tilespmem:s1+$0x20] =	vst v1;
	v1 =	vmul.f32 $8.000000000e+00, v3;
	v3 =	vld [tilespmem:s1+$0x90]  }
0xc8: {  	s30 =	sadd.s32 $0x8, s30;
	[tilespmem:s1+$0x30] =	vst v0;
	v0 =	vmul.f32 $8.000000000e+00, v6;
	v6 =	vld [tilespmem:s1+$0xA0]  }
0xc9: {  	p0 =	slt.u32 s30, $0x318;
	[tilespmem:s1+$0x40] =	vst v1;
	v1 =	vmul.f32 $8.000000000e+00, v5;
	v7 =	vld [tilespmem:s1+$0xB0]  }
.Ltmp1:
0xca: {  	[tilespmem:s1+$0x50] =	vst v0;
	v4 =	vmul.f32 $8.000000000e+00, v4;
	v0 =	vld [tilespmem:s1+$0xC0];
	(pc) =	sbr.rel @p0 .LBB2_5-.Ltmp1, $4  }
0xcb: {  	[tilespmem:s1+$0x60] =	vst v1;
	v5 =	vmul.f32 $8.000000000e+00, v2;
	v1 =	vld [tilespmem:s1+$0xD0]  }
0xcc: {  	[tilespmem:s1+$0x70] =	vst v4;
	v8 =	vmul.f32 $8.000000000e+00, v3;
	v2 =	vld [tilespmem:s1+$0xE0]  }
0xcd: {  	[tilespmem:s1+$0x80] =	vst v5;
	v5 =	vmul.f32 $8.000000000e+00, v6;
	v3 =	vld [tilespmem:s1+$0xF0]  }
0xce: {  	s1 =	sadd.s32 $0x200, s1;
	v4 =	vld [tilespmem:s29+$0xFFFFFFF0];
	[tilespmem:s29+$0x90] =	vst v8;
	v6 =	vmul.f32 $8.000000000e+00, v7  }
0xcf: {  	s1 =	smulhi.u32 $0x51EB851F, s28  }
0xd0: {  	[tilespmem:s29+$0xA0] =	vst v5;
	v0 =	vmul.f32 $8.000000000e+00, v0  }
0xd1: {  	[tilespmem:s29+$0xB0] =	vst v6;
	v1 =	vmul.f32 $8.000000000e+00, v1;
	s1 =	sshrl.u32 s1, $0x6  }
0xd2: {  	[tilespmem:s29+$0xC0] =	vst v0;
	v61 =	vmul.f32 $8.000000000e+00, v2;
	s31 =	smul.u32 $0x640, s1  }
0xd3: {  	[tilespmem:s29+$0xD0] =	vst v1;
	v62 =	vmul.f32 $8.000000000e+00, v3;
	s1 =	smul.u32 $0x3200, s1  }
0xd4: {  	v63 =	vmul.f32 $8.000000000e+00, v4;
	[tilespmem:s29+$0xE0] =	vst v61  }
0xd5: {  	[tilespmem:s29+$0xF0] =	vst v62;
	s1 =	sshrl.u32 s1, $0x3  }
0xd6: {  	s26 =	sadd.s32 $0x1, s26;
	s28 =	sadd.s32 s2, s31;
	[tilespmem:s29+$0xFFFFFFF0] =	vst v63;
	s1 =	sadd.s32 s2, s1  }
0xd7: {  	[hbm4b:s28+s3] =	stream.linear.scatter [tilespmem:s14], [sflag:$0x4], $0x3200, $0x38;
	[tilespmem:$0x19640] =	vst v63  }
0xd8: {  	p0 =	sne.s32 s26, $0x40;
	s30 =	sadd.s32 $0x640, s1  }
0xd9: {  	[hbm4b:s30+s3] =	stream.linear.scatter [tilespmem:s20], [sflag:$0x4], $0x3200, $0x38;
	[tilespmem:$0x19640] =	vst v63  }
.Ltmp2:
0xda: {  	_ = 	snop;
	(pc) =	sbr.rel @p0 .LBB2_2-.Ltmp2, $4  }
0xdb: {  	s31 =	sadd.s32 $0xC80, s1  }
0xdc: {  	[hbm4b:s31+s3] =	stream.linear.scatter [tilespmem:s21], [sflag:$0x4], $0x3200, $0x38;
	[tilespmem:$0x19640] =	vst v63  }
0xdd: {  	s1 =	sadd.s32 $0x12C0, s1  }
0xde: {  	[hbm4b:s1+s3] =	stream.linear.scatter [tilespmem:s22], [sflag:$0x4], $0x3200, $0x38;
	[tilespmem:$0x19640] =	vst v63  }
0xdf: {  	_ =	swait.ge [sflag:s23], $0x3200  }
0xe0: {  	[sflag:s23] =	ssyncset.done $0x0  }
0xe1: {  	[sflag:s23] =	ssyncadd.s32 $0xFFFFCE00  }
0xe2: {  	_ =	swait.ge [sflag:s23], $0x3200  }
0xe3: {  	[sflag:s23] =	ssyncset.done $0x0  }
0xe4: {  	[sflag:s23] =	ssyncadd.s32 $0xFFFFCE00  }
0xe5: {  	_ =	swait.ge [sflag:s23], $0x3200  }
0xe6: {  	[sflag:s23] =	ssyncset.done $0x0  }
0xe7: {  	[sflag:s23] =	ssyncadd.s32 $0xFFFFCE00  }
0xe8: {  	_ =	swait.ge [sflag:s23], $0x3200  }
0xe9: {  	[sflag:s23] =	ssyncset.done $0x0  }
0xea: {  	[sflag:s23] =	ssyncadd.s32 $0xFFFFCE00  }
0xeb: {  	_ =	swait.ge [sflag:s24], $0x3200  }
0xec: {  	[sflag:s24] =	ssyncset.done $0x0  }
0xed: {  	[sflag:s24] =	ssyncadd.s32 $0xFFFFCE00  }
0xee: {  	_ =	swait.ge [sflag:s24], $0x3200  }
0xef: {  	[sflag:s24] =	ssyncset.done $0x0  }
0xf0: {  	s25 =	sadd.s32 $0x1, s25;
	[sflag:s24] =	ssyncadd.s32 $0xFFFFCE00  }
0xf1: {  	p0 =	sne.s32 s25, s10;
	_ =	swait.ge [sflag:s24], $0x3200  }
.Ltmp3:
0xf2: {  	[sflag:s24] =	ssyncset.done $0x0;
	(pc) =	sbr.rel @p0 .LBB2_1-.Ltmp3, $4  }
0xf3: {  	[sflag:s24] =	ssyncadd.s32 $0xFFFFCE00  }
0xf4: {  	_ =	swait.ge [sflag:s24], $0x3200  }
0xf5: {  	[sflag:s24] =	ssyncset.done $0x0  }
0xf6: {  	[sflag:s24] =	ssyncadd.s32 $0xFFFFCE00  }
0xf7: {  	_ =	sfence.sel $0x180000  }
0xf8: {  	[bflag:$0x0] =	sbarrier.arrive $0xFFFF  }
0xf9: {  	_ =	strace $0x90000047  }
0xfa: {  	[bflag:$0x2] =	sbarrier.arrive $0xFFFF  }
0xfb: {  	p0 =	sne.s32 s0, $0x0;
	s0 =	rddreg [dreg:$0x2]  }
0xfc: {  	s0 =	sadd.s32 @!p0 $0x100000, s0  }
0xfd: {  	[sflag:s0] =	ssyncadd.tile.s32 @!p0 $0x1;
	_ =	shalt  }
.Lfunc_end2:
_tile_overlayer_lowered:
.L_overlay_start_2:
0xfe: {  	(tag) =	ssettag $0x2  }
0xff: {  	s0 =	rddreg [dreg:$0x0];
	s2 =	stileid.u32  }
0x100: {  	s1 =	rddreg [dreg:$0x1];
	p0 =	sne.s32 s2, $0x0  }
0x101: {  	s3 =	rddreg [dreg:$0x2];
	[bflag:$0x3] =	sbarrier.arrive $0xFFFF;
	s2 =	simm.s32 @!p0 $0x1C05  }
0x102: {  	[timem:s3], [sflag:s2] =	dma.local @!p0 [hbm:s0], s1  }
0x103: {  	s0 =	simm.s32 @!p0 $0x5  }
0x104: {  	_ =	swait.ge @!p0 [sflag:s0], s1  }
0x105: {  	s1 =	ssub.s32 @!p0 $0x0, s1;
	[sflag:s0] =	ssyncset.done @!p0 $0x0  }
0x106: {  	[sflag:s0] =	ssyncadd.s32 @!p0 s1  }
0x107: {  	[bflag:$0x3] =	sbarrier.arrive $0xFFFF  }
0x108: {  	_ =	shalt  }

// kernel: sparse-core-data-format-call.cloned.1.call-start
scs
called_computation_lowered:
.L_overlay_start_0:
0x0: {  	s2 =	sld [smem:$0x3FD9]  }
0x1: {  	s3 =	sld [smem:$0x3FFE];
	_ =	sdelay $0x1  }
0x2: {  	s1 =	srdreg.scid  }
0x3: {  	s0 =	sand.u32 $0x1, s1  }
0x4: {  	s18 =	sshll.u32 s0, $0xA;
	s2 =	sadd.s32 s3, s2  }
0x5: {  	s2 =	sadd.s32 s2, s18  }
0x6: {  	[smem:$0x3FC6] =	sst s2  }
0x7: {  	_ = 	snop  }
0x8: {  	s2 =	sld [smem:$0x3FD0];
	(tm) =	ssettm $0x1  }
0x9: {  	s19 =	sld [smem:$0x3FFB];
	_ =	sdelay $0x3  }
0xa: {  	_ =	strace s19  }
0xb: {  	s3 =	sld [smem:$0x3FFC];
	_ =	sdelay $0x3  }
0xc: {  	_ =	strace s3  }
0xd: {  	s3 =	sld [smem:$0x3FFD];
	_ =	sdelay $0x3  }
0xe: {  	_ =	strace s3  }
0xf: {  	_ =	strace $0x8FFFFFFF  }
0x10: {  	s20 =	sld [smem:$0x3FDB];
	_ =	sdelay $0x1  }
0x11: {  	s4 =	simm.s32 $_scs_section_size  }
0x12: {  	s5 =	simm.s32 $_size__tile_overlayer_lowered;
	s6 =	simm.s32 $_tile_overlayer_lowered  }
0x13: {  	s23 =	simm.s32 $0x1BFF;
	s22 =	sshll.u32 s6, $0x1;
	s3 =	sadd.s32 s4, s20  }
0x14: {  	s7 =	simm.s32 $0x0;
	s21 =	sshll.u32 s5, $0x1;
	s5 =	sadd.s32 s22, s3  }
0x15: {  	[timem:s7], [sflag:s23] =	dma.local [hbm:s5], s21  }
0x16: {  	_ =	swait.ge [sflag:s23], s21  }
0x17: {  	s4 =	ssub.s32 $0x0, s21;
	[sflag:s23] =	ssyncset.done $0x0  }
0x18: {  	[sflag:s23] =	ssyncadd.s32 s4;
	_ =	sdelay $0x1  }
0x19: {  	s24 =	simm.s32 $0x1B8B  }
0x1a: {  	_ =	swait.ge [sflag:s24], $0x1  }
0x1b: {  	[sflag:s24] =	ssyncset.done $0x0  }
0x1c: {  	s26 =	simm.s32 $0x1B8E;
	s25 =	sld [smem:$0x3FFE];
	[sflag:s24] =	ssyncadd.s32 $0xFFFFFFFF  }
0x1d: {  	s27 =	simm.s32 $execute0_lowered;
	[smem:$0x3FD2] =	sst s26  }
0x1e: {  	s5 =	sshll.u32 s27, $0x1;
	_ =	strace $0x80000049;
	[dreg:$0x1] =	wrdreg $0xFFFFFFFF  }
0x1f: {  	s28 =	simm.s32 $_size_execute0_lowered;
	s3 =	sadd.s32 s3, s5;
	[dreg:$0x0] =	wrdreg $0x0  }
0x20: {  	s5 =	sshll.u32 s28, $0x1;
	[dreg:$0x2] =	wrdreg s3  }
0x21: {  	[dreg:$0x3] =	wrdreg s5  }
0x22: {  	[dreg:$0x4] =	wrdreg $0xC0  }
0x23: {  	_ =	task [dreg:s7], $0x5FFFF  }
0x24: {  	[dreg:$0x1] =	wrdreg $0xFFFFFFFF  }
0x25: {  	[dreg:$0x0] =	wrdreg $0x60  }
0x26: {  	[dreg:$0x2] =	wrdreg s25  }
0x27: {  	[dreg:$0x3] =	wrdreg s2  }
0x28: {  	[dreg:$0x4] =	wrdreg $0x9  }
0x29: {  	_ =	task.clear_ibuf [dreg:s7], $0x5FFFF;
	_ =	strace $0x90000049  }
0x2a: {  	s29 =	simm.s32 $0x9;
	_ =	strace $0x8000004B  }
0x2b: {  	_ =	swait.ge [sflag:s29], $0x1  }
0x2c: {  	[sflag:s29] =	ssyncadd.s32 $0xFFFFFFFF  }
0x2d: {  	_ =	strace $0x9000004B  }
0x2e: {  	_ =	sfence  }
0x2f: {  	s30 =	sld [smem:$0x0];
	_ =	sdelay $0x2  }
0x30: {  	s31 =	sshll.u32 s1, $0xD;
	s1 =	sshrl.u32 s1, $0x2  }
0x31: {  	s3 =	sand.u32 $0x4000, s31;
	s1 =	sadd.s32 s1, s30  }
0x32: {  	s0 =	sor.u32 s3, s0;
	s1 =	sshll.u32 s1, $0x11  }
0x33: {  	s0 =	sor.u32 s1, s0  }
0x34: {  	s0 =	sadd.s32 $0x8F2B, s0  }
0x35: {  	[sflag:s0] =	ssyncadd.remote.s32 $0x1  }
0x36: {  	_ =	sfence.sel $0xFFFF  }
0x37: {  	[dreg:$0x0] =	wrdreg $0xFFFFFFFF;
	(pc) =	sbr.abs _section_cstart, $3  }
0x38: {  	[dreg:$0x1] =	wrdreg $0xFFFFFFFF  }
0x39: {  	_ =	task.clear_ibuf [dreg:s7], $0x2FFFF;
	_ =	strace $0x9FFFFFFF  }
0x3a: {  	(tm) =	ssettm $0x7FFFFFFF  }
0x3b: {  	_ =	shalt  }
tec
execute0_lowered:
.L_overlay_start_1:
0x0: {  	(tag) =	ssettag $0x1  }
0x1: {  	s0 =	srdreg.scid  }
0x2: {  	s1 =	sshll.u32 s0, $0x4  }
0x3: {  	s0 =	stileid.u32;
	s1 =	sand.u32 $0x10, s1  }
0x4: {  	s1 =	sor.u32 s0, s1  }
0x5: {  	s6 =	rddreg [dreg:$0x0];
	s4 =	simm.s32 $0x1;
	s2 =	sshll.u32 s1, $0x7  }
0x6: {  	s7 =	simm.s32 $0x2;
	s12 =	simm.s32 $0x0;
	s1 =	ssub.s32 $0x4000, s2  }
0x7: {  	s8 =	simm.s32 $0x20000;
	s13 =	simm.s32 $0x0;
	s3 =	sand.u32 $0xF80, s1  }
0x8: {  	s9 =	simm.s32 $0x0;
	s5 =	sshrl.u32 s1, $0xC;
	p0 =	sne.s32 s3, $0x0  }
.Ltmp0:
0x9: {  	s1 =	rddreg [dreg:$0x2];
	s4 =	simm.s32 @!p0 $0x0;
	(pc) =	sbr.rel .LBB1_1-.Ltmp0, $4  }
0xa: {  	s11 =	simm.s32 $0x0;
	s3 =	rddreg [dreg:$0x1];
	s5 =	sadd.s32 s4, s5  }
0xb: {  	_ =	strace $0x8000004A;
	s4 =	simm.s32 $0x1;
	s5 =	smul.u32 $0xC8, s5  }
0xc: {  	s6 =	sadd.s32 $0x800, s6;
	s10 =	smov.u32 s2;
	[sflag:s4] =	ssyncpa.u1 $0x0  }
0xd: {  	p0 =	por $0x0, $0x0;
	[sflag:s7] =	ssyncpa.u1 $0x0;
	s7 =	sor.u32 $0x1, s5  }
.LBB1_4:
0xe: {  	s16 =	sshll.u32 s13, $0x3;
	s17 =	sand.u32 $0x78, s13  }
0xf: {  	s30 =	sand.u32 $0x1F800, s13;
	s12 =	sshll.u32 s12, $0x11;
	s16 =	sand.u32 $0x3C00, s16  }
0x10: {  	[tilespmem:s15+$0x810 ss:$0x81] =	vst.msk $0xffff, v2;
	s31 =	sand.u32 $0x7, s13;
	s16 =	sor.u32 s17, s16;
	s17 =	sadd.s32 s3, s30  }
0x11: {  	[tilespmem:s15+$0x1020 ss:$0x81] =	vst.msk $0xffff, v0;
	s13 =	sshll.u32 s31, $0x12;
	s12 =	sadd.s32 s12, s17;
	s16 =	sshrl.u32 s16, $0x3  }
0x12: {  	[tilespmem:s15+$0x0 ss:$0x81] =	vst.msk $0xffff, v1;
	s13 =	sor.u32 $0x400, s13;
	s12 =	sadd.s32 s16, s12  }
0x13: {  	[hbm4b:s12+s13] =	stream.strided.scatter [tilespmem:s14], [sflag:$0x2], $0x2000, s8, s13, $0x20;
	[tilespmem:$0x8080] =	vst v63  }
.LBB1_5:
0x14: {  	s14 =	sadd.s32 $0x1, s9  }
0x15: {  	s12 =	sadd.s32 $0x1000, s10;
	s16 =	smov.u32 s10;
	p2 =	sgt.s32 s14, $0xC7  }
0x16: {  	s16 =	smov.u32 @p2 s12  }
0x17: {  	s14 =	simm.s32 @p2 $0x0;
	p2 =	sgt.s32 s16, $0x3FFF  }
0x18: {  	s16 =	smov.u32 @p2 s2;
	p2 =	sne.s32 s11, s7  }
.Ltmp1:
0x19: {  	p1 =	slt.u32 s11, $0x2;
	(pc) =	sbr.rel @!p2 .LBB1_6-.Ltmp1, $4  }
0x1a: {  	s15 =	simm.s32 @!p1 $0x2  }
0x1b: {  	s13 =	smov.u32 s10;
	p0 =	por !p0, !p0;
	_ =	swait.ge @!p1 [sflag:s15], $0x2000  }
0x1c: {  	s12 =	smov.u32 s9;
	[sflag:s15] =	ssyncset.done @!p1 $0x0;
	s9 =	smov.u32 s14  }
0x1d: {  	s11 =	sadd.s32 $0x1, s11;
	[sflag:s15] =	ssyncadd.s32 @!p1 $0xFFFFE000;
	s10 =	smov.u32 s16  }
.LBB1_1:
0x1e: {  	p1 =	sge.u32 s11, s5  }
0x1f: {  	s14 =	sand.u32 @!p1 $0x1FFFFFF, s9  }
0x20: {  	s15 =	smulhi.u32 @!p1 $0x147AE15, s14;
	_ =	sdelay $0x1  }
0x21: {  	s15 =	smul.u32 @!p1 $0xC8, s15  }
0x22: {  	s16 =	sxor.u32 @!p1 $0xFFFFFFFF, s11;
	s17 =	smul.u32 @!p1 $0xC80, s10  }
0x23: {  	s31 =	sadd.s32 $0xFFFFFFFF, s11;
	s16 =	sshll.u32 @!p1 s16, $0xD;
	s14 =	ssub.s32 @!p1 s14, s15  }
0x24: {  	s15 =	sand.u32 @!p1 $0x2000, s16;
	s16 =	sadd.s32 @!p1 s6, s17;
	s14 =	sshll.u32 @!p1 s14, $0x4  }
0x25: {  	s17 =	simm.s32 @!p1 $0x6400;
	s14 =	sadd.s32 @!p1 s14, s16;
	s16 =	simm.s32 @!p1 $0x40  }
0x26: {  	[tilespmem:s15], [sflag:$0x1] =	stream.strided.gather @!p1 [hbm4b:s14+s16], $0x2000, s17, s16, $0x38;
	[tilespmem:$0x8080] =	vst v63  }
0x27: {  	p1 =	sge.u32 s31, s5  }
.Ltmp2:
0x28: {  	_ = 	snop;
	(pc) =	sbr.rel @p1 .LBB1_5-.Ltmp2, $1  }
0x29: {  	_ =	sdelay $0x3  }
0x2a: {  	s14 =	simm.s32 $0x1  }
0x2b: {  	_ =	swait.ge [sflag:s4], $0x2000;
	s14 =	simm.s32 @!p0 $0x0  }
0x2c: {  	[sflag:s4] =	ssyncset.done $0x0;
	s15 =	sshll.u32 s14, $0xD  }
0x2d: {  	[sflag:s4] =	ssyncadd.s32 $0xFFFFE000;
	s18 =	sor.u32 $0x20, s15  }
0x2e: {  	s14 =	smul.u32 $0x8100, s14;
	v3 =	vld [tilespmem:s18+$0x10]  }
0x2f: {  	s30 =	sand.u32 $0x1, s11;
	v2 =	vld [tilespmem:s18+$0xFFFFFFF0]  }
0x30: {  	s15 =	smul.u32 $0x8100, s30;
	s14 =	sshrl.u32 s14, $0x2;
	v0 =	vld [tilespmem:s18+$0x0]  }
0x31: {  	v1 =	vld [tilespmem:s18+$0xFFFFFFE0];
	s16 =	sor.u32 $0x4000, s14  }
0x32: {  	s31 =	sshrl.u32 s15, $0x2;
	s15 =	sadd.s32 $0x0, s16  }
0x33: {  	s17 =	simm.s32 $0x4;
	s18 =	sadd.s32 $0x40, s18;
	s14 =	sor.u32 $0x4000, s31;
	[tilespmem:s15+$0x1830 ss:$0x81] =	vst.msk $0xffff, v3  }
.LBB1_3:
0x34: {  	v3 =	vld [tilespmem:s18+$0x10];
	p1 =	sne.s32 s17, $0x1FC;
	[tilespmem:s15+$0x810 ss:$0x81] =	vst.msk $0xffff, v2;
	s19 =	smov.u32 s17;
	s17 =	sadd.s32 $0x4, s17  }
.Ltmp3:
0x35: {  	v2 =	vld [tilespmem:s18+$0xFFFFFFF0];
	[tilespmem:s15+$0x1020 ss:$0x81] =	vst.msk $0xffff, v0;
	(pc) =	sbr.rel @p1 .LBB1_3-.Ltmp3, $4  }
0x36: {  	v0 =	vld [tilespmem:s18+$0x0];
	[tilespmem:s15+$0x0 ss:$0x81] =	vst.msk $0xffff, v1  }
0x37: {  	s15 =	sshra.s32 s19, $0x2;
	v1 =	vld [tilespmem:s18+$0xFFFFFFE0]  }
0x38: {  	s15 =	sadd.s32 s15, s16  }
0x39: {  	s18 =	sadd.s32 $0x40, s18;
	[tilespmem:s15+$0x1830 ss:$0x81] =	vst.msk $0xffff, v3  }
.Ltmp4:
0x3a: {  	_ = 	snop;
	(pc) =	sbr.rel .LBB1_4-.Ltmp4, $1  }
0x3b: {  	_ =	sdelay $0x3  }
.LBB1_6:
0x3c: {  	_ =	sfence.sel $0x180000  }
0x3d: {  	s2 =	simm.s32 $0x1;
	[bflag:$0x0] =	sbarrier.arrive $0xFFFF  }
0x3e: {  	s31 =	simm.s32 $0x2;
	[sflag:s2] =	ssyncpa.u1 $0x1  }
0x3f: {  	[sflag:s31] =	ssyncpa.u1 $0x1  }
0x40: {  	p0 =	sne.s32 s0, $0x0;
	_ =	strace $0x9000004A  }
0x41: {  	s0 =	sadd.s32 @!p0 $0x100000, s1;
	[bflag:$0x2] =	sbarrier.arrive $0xFFFF  }
0x42: {  	[sflag:s0] =	ssyncadd.tile.s32 @!p0 $0x1;
	_ =	shalt  }
.Lfunc_end1:
_tile_overlayer_lowered:
.L_overlay_start_2:
0x43: {  	(tag) =	ssettag $0x2  }
0x44: {  	s0 =	rddreg [dreg:$0x0];
	s2 =	stileid.u32  }
0x45: {  	s1 =	rddreg [dreg:$0x1];
	p0 =	sne.s32 s2, $0x0  }
0x46: {  	s3 =	rddreg [dreg:$0x2];
	[bflag:$0x3] =	sbarrier.arrive $0xFFFF;
	s2 =	simm.s32 @!p0 $0x1C01  }
0x47: {  	[timem:s3], [sflag:s2] =	dma.local @!p0 [hbm:s0], s1  }
0x48: {  	s0 =	simm.s32 @!p0 $0x1  }
0x49: {  	_ =	swait.ge @!p0 [sflag:s0], s1  }
0x4a: {  	s1 =	ssub.s32 @!p0 $0x0, s1;
	[sflag:s0] =	ssyncset.done @!p0 $0x0  }
0x4b: {  	[sflag:s0] =	ssyncadd.s32 @!p0 s1  }
0x4c: {  	[bflag:$0x3] =	sbarrier.arrive $0xFFFF  }
0x4d: {  	_ =	shalt  }

</sc_bundles>
